<compile_context>
chip_gen: v7x
topology: tpu7x:2x2x1
jax: 0.10.2.dev20260603
libtpu: 0.0.44.dev20260713+nightly
codegen_flags: <defaults>
</compile_context>

<pallas_src>
import functools

import jax
import jax.numpy as jnp
from jax import lax
from jax.experimental import pallas as pl
from jax.experimental.pallas import tpu as pltpu
from jax.experimental.pallas import tpu_sc as plsc

N = 10000
E = 320000
D = 128
D_OUT = 64

NC, NS = 2, 16
NW = NC * NS
K = 128
NCH = 81
EPW = NCH * K
E_PAD = EPW * NW
NP = 10240
NPA = 10112
RPT = NPA // NS

_mesh = plsc.VectorSubcoreMesh(core_axis_name="c", subcore_axis_name="s")



NPR = NP // D
VPC = K // 16


@functools.partial(
    pl.kernel,
    out_type=jax.ShapeDtypeStruct((NW, 1, NP), jnp.float32),
    mesh=_mesh,
    scratch_types=[
        pltpu.VMEM((NCH, K), jnp.int32),
        pltpu.VMEM((NP,), jnp.float32),
    ],
    compiler_params=pltpu.CompilerParams(needs_layout_passes=False),
)
def _sc_deg(dst_hbm, out_hbm, dst_v, hloc):
    c = lax.axis_index("c")
    s = lax.axis_index("s")
    wid = s * NC + c
    pltpu.sync_copy(dst_hbm.at[wid], dst_v)

    zero16 = jnp.zeros((16,), jnp.float32)

    def zvec(r, carry):
        hloc[pl.ds(r * 16, 16)] = zero16
        return carry

    lax.fori_loop(0, NP // 16, zvec, 0)

    ones16 = jnp.ones((16,), jnp.float32)

    def chunk(i, carry):
        def vec(j, carry2):
            idx = dst_v[i, pl.ds(j * 16, 16)]
            plsc.addupdate_scatter(hloc, [idx], ones16)
            return carry2
        return lax.fori_loop(0, VPC, vec, carry)

    lax.fori_loop(0, NCH, chunk, 0)
    pltpu.sync_copy(hloc, out_hbm.at[wid, 0])


@functools.partial(
    pl.kernel,
    out_type=jax.ShapeDtypeStruct((NC, NPA, D), jnp.float32),
    mesh=_mesh,
    scratch_types=[
        pltpu.VMEM((2 * NCH, K), jnp.int32),
        pltpu.VMEM_SHARED((NPA, D), jnp.float32),
        pltpu.VMEM((K, D), jnp.float32),
        pltpu.SemaphoreType.DMA,
    ],
)
def _sc_agg(g_hbm, idx_hbm, z128_hbm, zk_hbm, out_hbm, idx_v, acc, buf, gsem):
    c = lax.axis_index("c")
    s = lax.axis_index("s")
    wid = s * NC + c
    pltpu.sync_copy(idx_hbm.at[wid], idx_v)
    rows0 = s * RPT

    @pl.when(c == 0)
    def _init_self_loop():
        pltpu.sync_copy(g_hbm.at[pl.ds(rows0, RPT)], acc.at[pl.ds(rows0, RPT)])

    @pl.when(c == 1)
    def _init_zero():
        pltpu.sync_copy(z128_hbm, acc.at[pl.ds(rows0, RPT)])

    plsc.subcore_barrier()

    pltpu.async_copy(g_hbm.at[idx_v.at[0]], buf, gsem)

    def body(i, carry):
        pltpu.make_async_copy(zk_hbm, buf, gsem).wait()
        pltpu.sync_copy(buf, acc.at[idx_v.at[NCH + i]], add=True)
        nxt = lax.rem(i + 1, NCH)
        pltpu.async_copy(g_hbm.at[idx_v.at[nxt]], buf, gsem)
        return carry

    lax.fori_loop(0, NCH, body, 0)
    pltpu.make_async_copy(zk_hbm, buf, gsem).wait()
    plsc.subcore_barrier()
    pltpu.sync_copy(acc.at[pl.ds(rows0, RPT)],
                    out_hbm.at[c, pl.ds(rows0, RPT)])



R = 1000
GRID = N // R


def _tc_prep_body(hist_ref, dinv_ref):
    acc = hist_ref[0] + 1.0
    for w in range(1, NW):
        acc = acc + hist_ref[w]
    dinv_ref[...] = lax.rsqrt(acc)


def _tc_prep(hist):
    return pl.pallas_call(
        _tc_prep_body,
        grid=(1,),
        in_specs=[pl.BlockSpec((NW, 1, NP), lambda i: (0, 0, 0))],
        out_specs=pl.BlockSpec((1, NP), lambda i: (0, 0)),
        out_shape=jax.ShapeDtypeStruct((1, NP), jnp.float32),
    )(hist)


def _tc_first_body(x_ref, w_ref, dinv_ref, g_ref):
    h = jnp.dot(x_ref[...], w_ref[...], preferred_element_type=jnp.float32)
    g_ref[...] = h * dinv_ref[...]


def _tc_first(x, W1, dinv):
    return pl.pallas_call(
        _tc_first_body,
        grid=(GRID,),
        in_specs=[
            pl.BlockSpec((R, D), lambda i: (i, 0)),
            pl.BlockSpec((D, D), lambda i: (0, 0)),
            pl.BlockSpec((R, 1), lambda i: (i, 0)),
        ],
        out_specs=pl.BlockSpec((R, D), lambda i: (i, 0)),
        out_shape=jax.ShapeDtypeStruct((NP, D), jnp.float32),
    )(x, W1, dinv)


def _tc_mid_body(p_ref, dinv_ref, b_ref, w_ref, g_ref):
    dinv = dinv_ref[...]
    agg = p_ref[0] + p_ref[1]
    xa = jnp.maximum(dinv * agg + b_ref[...], 0.0)
    h = jnp.dot(xa, w_ref[...], preferred_element_type=jnp.float32)
    g_ref[...] = h * dinv


def _tc_mid(p, dinv, b, W):
    return pl.pallas_call(
        _tc_mid_body,
        grid=(GRID,),
        in_specs=[
            pl.BlockSpec((NC, R, D), lambda i: (0, i, 0)),
            pl.BlockSpec((R, 1), lambda i: (i, 0)),
            pl.BlockSpec((1, D), lambda i: (0, 0)),
            pl.BlockSpec((D, D), lambda i: (0, 0)),
        ],
        out_specs=pl.BlockSpec((R, D), lambda i: (i, 0)),
        out_shape=jax.ShapeDtypeStruct((NP, D), jnp.float32),
    )(p, dinv, b, W)


def _tc_final_body(p_ref, dinv_ref, b3_ref, wout_ref, bout_ref, y_ref):
    x4 = dinv_ref[...] * (p_ref[0] + p_ref[1]) + b3_ref[...]
    y_ref[...] = (jnp.dot(x4, wout_ref[...], preferred_element_type=jnp.float32)
                  + bout_ref[...])


def _tc_final(p, dinv, b3, W_out, b_out):
    return pl.pallas_call(
        _tc_final_body,
        grid=(GRID,),
        in_specs=[
            pl.BlockSpec((NC, R, D), lambda i: (0, i, 0)),
            pl.BlockSpec((R, 1), lambda i: (i, 0)),
            pl.BlockSpec((1, D), lambda i: (0, 0)),
            pl.BlockSpec((D, D_OUT), lambda i: (0, 0)),
            pl.BlockSpec((1, D_OUT), lambda i: (0, 0)),
        ],
        out_specs=pl.BlockSpec((R, D_OUT), lambda i: (i, 0)),
        out_shape=jax.ShapeDtypeStruct((N, D_OUT), jnp.float32),
    )(p, dinv, b3, W_out, b_out)



def kernel(x, edge_index, W1, b1, W2, b2, W3, b3, W_out, b_out):
    npad = E_PAD - E
    fill = jnp.arange(npad, dtype=jnp.int32) % (NPA - N)
    srcp = jnp.concatenate([edge_index[0], fill]).reshape(NW, NCH, K)
    dstp = jnp.concatenate([edge_index[1], N + fill]).reshape(NW, NCH, K)
    idx = jnp.concatenate([srcp, dstp], axis=1)
    z128 = jnp.zeros((RPT, D), jnp.float32)
    zk = jnp.zeros((K, D), jnp.float32)

    hist = _sc_deg(dstp)
    dinv = _tc_prep(hist).reshape(NP)[:N].reshape(N, 1)
    g1 = _tc_first(x, W1, dinv)
    p = _sc_agg(g1, idx, z128, zk)
    g2 = _tc_mid(p, dinv, b1.reshape(1, -1), W2)
    p = _sc_agg(g2, idx, z128, zk)
    g3 = _tc_mid(p, dinv, b2.reshape(1, -1), W3)
    p = _sc_agg(g3, idx, z128, zk)
    return _tc_final(p, dinv, b3.reshape(1, -1), W_out, b_out.reshape(1, -1))

# --- scband reference (transcript-rebuilt; emitter-appended) ---
"""Pipeline reference for scband-gcn-66443144069548 (READ-ONLY COPY).

The authoritative reference and input builder live on the scoring server;
editing this copy changes nothing except your own understanding.
"""

import jax, jax.numpy as jnp
import numpy as np

N = 10000
E = 320000
D_IN = 128
HIDDEN = 128
D_OUT = 64

def _glorot(key, shape):
    fan_in, fan_out = shape[0], shape[1]
    s = jnp.sqrt(2.0 / (fan_in + fan_out))
    return jax.random.normal(key, shape, dtype=jnp.float32) * s

def setup_inputs(seed: int = 0):
    key = jax.random.key(seed)
    ks = jax.random.split(key, 8)
    x = jax.random.normal(ks[0], (N, D_IN), dtype=jnp.float32)
    edge_index = jax.random.randint(ks[1], (2, E), 0, N, dtype=jnp.int32)
    W1 = _glorot(ks[2], (D_IN, HIDDEN))
    b1 = jnp.zeros((HIDDEN,), jnp.float32)
    W2 = _glorot(ks[3], (HIDDEN, HIDDEN))
    b2 = jnp.zeros((HIDDEN,), jnp.float32)
    W3 = _glorot(ks[4], (HIDDEN, HIDDEN))
    b3 = jnp.zeros((HIDDEN,), jnp.float32)
    W_out = _glorot(ks[5], (HIDDEN, D_OUT))
    b_out = jnp.zeros((D_OUT,), jnp.float32)
    return {"x": x, "edge_index": edge_index, "W1": W1, "b1": b1, "W2": W2, "b2": b2, "W3": W3, "b3": b3, "W_out": W_out, "b_out": b_out}

def _gcn_conv(x, edge_index, W, b):
    # Faithful GCNConv: linear transform, add self-loops, symmetric normalization, scatter-add aggregation, bias.
    num_nodes = x.shape[0]
    h = x @ W
    loop = jnp.arange(num_nodes, dtype=edge_index.dtype)
    src = jnp.concatenate([edge_index[0], loop])
    dst = jnp.concatenate([edge_index[1], loop])
    deg = jnp.zeros((num_nodes,), h.dtype).at[dst].add(1.0)
    dinv = jnp.where(deg > 0, jax.lax.rsqrt(deg), 0.0)
    norm = dinv[src] * dinv[dst]
    msg = h[src] * norm[:, None]
    out = jnp.zeros_like(h).at[dst].add(msg)
    return out + b

def reference(x, edge_index, W1, b1, W2, b2, W3, b3, W_out, b_out):
    # Dropout is identity in eval mode (training=False), so it is omitted.
    h = jax.nn.relu(_gcn_conv(x, edge_index, W1, b1))
    h = jax.nn.relu(_gcn_conv(h, edge_index, W2, b2))
    h = _gcn_conv(h, edge_index, W3, b3)
    return h @ W_out + b_out

if __name__ == "__main__":
    import jax
    _d = setup_inputs()
    print(jax.jit(kernel)(*tuple(_d.values())))

</pallas_src>

<mosaic_0001>
#map = affine_map<(d0, d1) -> (0, 0)>
#map1 = affine_map<(d0, d1) -> (0, 0, 0)>
module attributes {stable_mosaic.version = 14 : i64} {
  func.func @_sc_agg(%arg0: i32, %arg1: i32, %arg2: memref<10240x128xf32, #tpu.memory_space<hbm>>, %arg3: memref<32x162x128xi32, #tpu.memory_space<hbm>>, %arg4: memref<632x128xf32, #tpu.memory_space<hbm>>, %arg5: memref<128x128xf32, #tpu.memory_space<hbm>>, %arg6: memref<2x10112x128xf32, #tpu.memory_space<hbm>>, %arg7: memref<162x128xi32, #tpu.memory_space<vmem>>, %arg8: memref<10112x128xf32, #tpu.memory_space<vmem_shared>>, %arg9: memref<128x128xf32, #tpu.memory_space<vmem>>, %arg10: memref<!tpu.dma_semaphore, #tpu.memory_space<semaphore_mem>>) attributes {dimension_semantics = [#tpu.dimension_semantics<core_parallel>, #tpu.dimension_semantics<subcore_parallel>], iteration_bounds = array<i64: 2, 16>, scalar_prefetch = 0 : i64, scratch_operands = 4 : i64, tpu.core_type = #tpu.core_type<sc_vector_subcore>, window_params = [{transform_indices = #map}, {transform_indices = #map1}, {transform_indices = #map}, {transform_indices = #map}, {transform_indices = #map1}]} {
    %mul3A = arith.constant 2 : i32
    %mul3A_0 = arith.muli %arg1, %mul3A : i32
    %add3A = arith.addi %mul3A_0, %arg0 : i32
    "tpu.region"() ({
      %run_scoped3A = tpu.sem_alloc : memref<!tpu.dma_semaphore, #tpu.memory_space<semaphore_mem>>
      %dma_start3A_22 = arith.constant 0 : i32
      %dma_start3A_23 = arith.constant 0 : i32
      %dma_start3A_24 = tpu.memref_slice %arg3[%add3A, %dma_start3A_22, %dma_start3A_23] : memref<32x162x128xi32, #tpu.memory_space<hbm>> -> memref<1x162x128xi32, #tpu.memory_space<hbm>>
      %dma_start3A_25 = tpu.memref_squeeze %dma_start3A_24 : memref<1x162x128xi32, #tpu.memory_space<hbm>> -> memref<162x128xi32, #tpu.memory_space<hbm>>
      %dma_start3A_26 = arith.constant 0 : i32
      %dma_start3A_27 = arith.constant 0 : i32
      %dma_start3A_28 = tpu.memref_slice %arg3[%add3A, %dma_start3A_26, %dma_start3A_27] : memref<32x162x128xi32, #tpu.memory_space<hbm>> -> memref<1x162x128xi32, #tpu.memory_space<hbm>>
      %dma_start3A_29 = tpu.memref_squeeze %dma_start3A_28 : memref<1x162x128xi32, #tpu.memory_space<hbm>> -> memref<162x128xi32, #tpu.memory_space<hbm>>
      tpu.enqueue_dma source(%dma_start3A_29 : memref<162x128xi32, #tpu.memory_space<hbm>>) target(%arg7 : memref<162x128xi32, #tpu.memory_space<vmem>>) target_semaphore(%run_scoped3A : memref<!tpu.dma_semaphore, #tpu.memory_space<semaphore_mem>>)
      %dma_wait3A = arith.constant 0 : i32
      %dma_wait3A_30 = arith.constant 0 : i32
      %dma_wait3A_31 = tpu.memref_slice %arg3[%add3A, %dma_wait3A, %dma_wait3A_30] : memref<32x162x128xi32, #tpu.memory_space<hbm>> -> memref<1x162x128xi32, #tpu.memory_space<hbm>>
      %dma_wait3A_32 = tpu.memref_squeeze %dma_wait3A_31 : memref<1x162x128xi32, #tpu.memory_space<hbm>> -> memref<162x128xi32, #tpu.memory_space<hbm>>
      %dma_wait3A_33 = arith.constant 0 : i32
      %dma_wait3A_34 = arith.constant 0 : i32
      %dma_wait3A_35 = tpu.memref_slice %arg3[%add3A, %dma_wait3A_33, %dma_wait3A_34] : memref<32x162x128xi32, #tpu.memory_space<hbm>> -> memref<1x162x128xi32, #tpu.memory_space<hbm>>
      %dma_wait3A_36 = tpu.memref_squeeze %dma_wait3A_35 : memref<1x162x128xi32, #tpu.memory_space<hbm>> -> memref<162x128xi32, #tpu.memory_space<hbm>>
      tpu.wait_dma2 semaphore(%run_scoped3A : memref<!tpu.dma_semaphore, #tpu.memory_space<semaphore_mem>>) src(%dma_wait3A_36 : memref<162x128xi32, #tpu.memory_space<hbm>>) dst(%arg7 : memref<162x128xi32, #tpu.memory_space<vmem>>)
      tpu.yield
    }) : () -> ()
    %mul3A_1 = arith.constant 632 : i32
    %mul3A_2 = arith.muli %arg1, %mul3A_1 : i32
    %eq3A = arith.constant 0 : i32
    %eq3A_3 = arith.cmpi eq, %arg0, %eq3A : i32
    %convert_element_type3A = arith.extui %eq3A_3 : i1 to i32
    %cond3A = arith.constant 0 : i32
    %cond3A_4 = arith.cmpi ne, %convert_element_type3A, %cond3A : i32
    scf.if %cond3A_4 {
      "tpu.region"() ({
        %run_scoped3A = tpu.sem_alloc : memref<!tpu.dma_semaphore, #tpu.memory_space<semaphore_mem>>
        %dma_start3A_22 = arith.constant 0 : i32
        %dma_start3A_23 = tpu.memref_slice %arg8[%mul3A_2, %dma_start3A_22] : memref<10112x128xf32, #tpu.memory_space<vmem_shared>> -> memref<632x128xf32, #tpu.memory_space<vmem_shared>>
        %dma_start3A_24 = arith.constant 0 : i32
        %dma_start3A_25 = tpu.memref_slice %arg2[%mul3A_2, %dma_start3A_24] : memref<10240x128xf32, #tpu.memory_space<hbm>> -> memref<632x128xf32, #tpu.memory_space<hbm>>
        tpu.enqueue_dma source(%dma_start3A_25 : memref<632x128xf32, #tpu.memory_space<hbm>>) target(%dma_start3A_23 : memref<632x128xf32, #tpu.memory_space<vmem_shared>>) target_semaphore(%run_scoped3A : memref<!tpu.dma_semaphore, #tpu.memory_space<semaphore_mem>>)
        %dma_wait3A = arith.constant 0 : i32
        %dma_wait3A_26 = tpu.memref_slice %arg8[%mul3A_2, %dma_wait3A] : memref<10112x128xf32, #tpu.memory_space<vmem_shared>> -> memref<632x128xf32, #tpu.memory_space<vmem_shared>>
        %dma_wait3A_27 = arith.constant 0 : i32
        %dma_wait3A_28 = tpu.memref_slice %arg2[%mul3A_2, %dma_wait3A_27] : memref<10240x128xf32, #tpu.memory_space<hbm>> -> memref<632x128xf32, #tpu.memory_space<hbm>>
        tpu.wait_dma2 semaphore(%run_scoped3A : memref<!tpu.dma_semaphore, #tpu.memory_space<semaphore_mem>>) src(%dma_wait3A_28 : memref<632x128xf32, #tpu.memory_space<hbm>>) dst(%dma_wait3A_26 : memref<632x128xf32, #tpu.memory_space<vmem_shared>>)
        tpu.yield
      }) : () -> ()
    } else {
    }
    %eq3A_5 = arith.constant 1 : i32
    %eq3A_6 = arith.cmpi eq, %arg0, %eq3A_5 : i32
    %convert_element_type3A_7 = arith.extui %eq3A_6 : i1 to i32
    %cond3A_8 = arith.constant 0 : i32
    %cond3A_9 = arith.cmpi ne, %convert_element_type3A_7, %cond3A_8 : i32
    scf.if %cond3A_9 {
      "tpu.region"() ({
        %run_scoped3A = tpu.sem_alloc : memref<!tpu.dma_semaphore, #tpu.memory_space<semaphore_mem>>
        %dma_start3A_22 = arith.constant 0 : i32
        %dma_start3A_23 = tpu.memref_slice %arg8[%mul3A_2, %dma_start3A_22] : memref<10112x128xf32, #tpu.memory_space<vmem_shared>> -> memref<632x128xf32, #tpu.memory_space<vmem_shared>>
        tpu.enqueue_dma source(%arg4 : memref<632x128xf32, #tpu.memory_space<hbm>>) target(%dma_start3A_23 : memref<632x128xf32, #tpu.memory_space<vmem_shared>>) target_semaphore(%run_scoped3A : memref<!tpu.dma_semaphore, #tpu.memory_space<semaphore_mem>>)
        %dma_wait3A = arith.constant 0 : i32
        %dma_wait3A_24 = tpu.memref_slice %arg8[%mul3A_2, %dma_wait3A] : memref<10112x128xf32, #tpu.memory_space<vmem_shared>> -> memref<632x128xf32, #tpu.memory_space<vmem_shared>>
        tpu.wait_dma2 semaphore(%run_scoped3A : memref<!tpu.dma_semaphore, #tpu.memory_space<semaphore_mem>>) src(%arg4 : memref<632x128xf32, #tpu.memory_space<hbm>>) dst(%dma_wait3A_24 : memref<632x128xf32, #tpu.memory_space<vmem_shared>>)
        tpu.yield
      }) : () -> ()
    } else {
    }
    %barrier3A = arith.constant 0 : index
    tpu.barrier barrier_id(%barrier3A)
    %dma_start3A = arith.constant 0 : i32
    %dma_start3A_10 = arith.constant 0 : i32
    %dma_start3A_11 = tpu.memref_slice %arg7[%dma_start3A, %dma_start3A_10] : memref<162x128xi32, #tpu.memory_space<vmem>> -> memref<1x128xi32, #tpu.memory_space<vmem>>
    %dma_start3A_12 = tpu.memref_squeeze %dma_start3A_11 : memref<1x128xi32, #tpu.memory_space<vmem>> -> memref<128xi32, #tpu.memory_space<vmem>>
    %dma_start3A_13 = arith.constant 0 : i32
    %dma_start3A_14 = arith.constant 0 : i32
    %dma_start3A_15 = tpu.memref_slice %arg2[%dma_start3A_13, %dma_start3A_14] : memref<10240x128xf32, #tpu.memory_space<hbm>> -> memref<10240x128xf32, #tpu.memory_space<hbm>>
    tpu.enqueue_indirect_dma source(%dma_start3A_15 : memref<10240x128xf32, #tpu.memory_space<hbm>>) target(%arg9 : memref<128x128xf32, #tpu.memory_space<vmem>>) offsets(%dma_start3A_12 : memref<128xi32, #tpu.memory_space<vmem>>) semaphore(%arg10 : memref<!tpu.dma_semaphore, #tpu.memory_space<semaphore_mem>>)
    %scan3A = arith.constant 0 : i32
    %scan3A_16 = arith.constant 0 : i32
    %scan3A_17 = arith.constant 81 : i32
    %scan3A_18 = arith.addi %scan3A_16, %scan3A_17 : i32
    %scan3A_19 = arith.constant 1 : i32
    scf.for %scan3A_22 = %scan3A_16 to %scan3A_18 step %scan3A_19  : i32 {
      tpu.wait_dma2 semaphore(%arg10 : memref<!tpu.dma_semaphore, #tpu.memory_space<semaphore_mem>>) src(%arg5 : memref<128x128xf32, #tpu.memory_space<hbm>>) dst(%arg9 : memref<128x128xf32, #tpu.memory_space<vmem>>)
      %add3A_23 = arith.constant 81 : i32
      %add3A_24 = arith.addi %add3A_23, %scan3A_22 : i32
      "tpu.region"() ({
        %run_scoped3A = tpu.sem_alloc : memref<!tpu.dma_semaphore, #tpu.memory_space<semaphore_mem>>
        %dma_start3A_34 = arith.constant 0 : i32
        %dma_start3A_35 = tpu.memref_slice %arg7[%add3A_24, %dma_start3A_34] : memref<162x128xi32, #tpu.memory_space<vmem>> -> memref<1x128xi32, #tpu.memory_space<vmem>>
        %dma_start3A_36 = tpu.memref_squeeze %dma_start3A_35 : memref<1x128xi32, #tpu.memory_space<vmem>> -> memref<128xi32, #tpu.memory_space<vmem>>
        %dma_start3A_37 = arith.constant 0 : i32
        %dma_start3A_38 = arith.constant 0 : i32
        %dma_start3A_39 = tpu.memref_slice %arg8[%dma_start3A_37, %dma_start3A_38] : memref<10112x128xf32, #tpu.memory_space<vmem_shared>> -> memref<10112x128xf32, #tpu.memory_space<vmem_shared>>
        tpu.enqueue_indirect_dma source(%arg9 : memref<128x128xf32, #tpu.memory_space<vmem>>) target(%dma_start3A_39 : memref<10112x128xf32, #tpu.memory_space<vmem_shared>>) offsets(%dma_start3A_36 : memref<128xi32, #tpu.memory_space<vmem>>) semaphore(%run_scoped3A : memref<!tpu.dma_semaphore, #tpu.memory_space<semaphore_mem>>) {add = true}
        %dma_wait3A = arith.constant 0 : i32
        %dma_wait3A_40 = tpu.memref_slice %arg7[%add3A_24, %dma_wait3A] : memref<162x128xi32, #tpu.memory_space<vmem>> -> memref<1x128xi32, #tpu.memory_space<vmem>>
        %dma_wait3A_41 = tpu.memref_squeeze %dma_wait3A_40 : memref<1x128xi32, #tpu.memory_space<vmem>> -> memref<128xi32, #tpu.memory_space<vmem>>
        %dma_wait3A_42 = arith.constant 0 : i32
        %dma_wait3A_43 = arith.constant 0 : i32
        %dma_wait3A_44 = tpu.memref_slice %arg8[%dma_wait3A_42, %dma_wait3A_43] : memref<10112x128xf32, #tpu.memory_space<vmem_shared>> -> memref<10112x128xf32, #tpu.memory_space<vmem_shared>>
        tpu.wait_indirect_dma semaphore(%run_scoped3A : memref<!tpu.dma_semaphore, #tpu.memory_space<semaphore_mem>>) src(%arg9 : memref<128x128xf32, #tpu.memory_space<vmem>>) dst(%dma_wait3A_44 : memref<10112x128xf32, #tpu.memory_space<vmem_shared>>)
        tpu.yield
      }) : () -> ()
      %add3A_25 = arith.constant 1 : i32
      %add3A_26 = arith.addi %scan3A_22, %add3A_25 : i32
      %rem3A = arith.constant 81 : i32
      %rem3A_27 = arith.remsi %add3A_26, %rem3A : i32
      %dma_start3A_28 = arith.constant 0 : i32
      %dma_start3A_29 = tpu.memref_slice %arg7[%rem3A_27, %dma_start3A_28] : memref<162x128xi32, #tpu.memory_space<vmem>> -> memref<1x128xi32, #tpu.memory_space<vmem>>
      %dma_start3A_30 = tpu.memref_squeeze %dma_start3A_29 : memref<1x128xi32, #tpu.memory_space<vmem>> -> memref<128xi32, #tpu.memory_space<vmem>>
      %dma_start3A_31 = arith.constant 0 : i32
      %dma_start3A_32 = arith.constant 0 : i32
      %dma_start3A_33 = tpu.memref_slice %arg2[%dma_start3A_31, %dma_start3A_32] : memref<10240x128xf32, #tpu.memory_space<hbm>> -> memref<10240x128xf32, #tpu.memory_space<hbm>>
      tpu.enqueue_indirect_dma source(%dma_start3A_33 : memref<10240x128xf32, #tpu.memory_space<hbm>>) target(%arg9 : memref<128x128xf32, #tpu.memory_space<vmem>>) offsets(%dma_start3A_30 : memref<128xi32, #tpu.memory_space<vmem>>) semaphore(%arg10 : memref<!tpu.dma_semaphore, #tpu.memory_space<semaphore_mem>>)
    }
    %scan3A_20 = arith.constant 81 : i32
    tpu.wait_dma2 semaphore(%arg10 : memref<!tpu.dma_semaphore, #tpu.memory_space<semaphore_mem>>) src(%arg5 : memref<128x128xf32, #tpu.memory_space<hbm>>) dst(%arg9 : memref<128x128xf32, #tpu.memory_space<vmem>>)
    %barrier3A_21 = arith.constant 0 : index
    tpu.barrier barrier_id(%barrier3A_21)
    "tpu.region"() ({
      %run_scoped3A = tpu.sem_alloc : memref<!tpu.dma_semaphore, #tpu.memory_space<semaphore_mem>>
      %dma_start3A_22 = arith.constant 0 : i32
      %dma_start3A_23 = tpu.memref_slice %arg6[%arg0, %mul3A_2, %dma_start3A_22] : memref<2x10112x128xf32, #tpu.memory_space<hbm>> -> memref<1x632x128xf32, #tpu.memory_space<hbm>>
      %dma_start3A_24 = tpu.memref_squeeze %dma_start3A_23 : memref<1x632x128xf32, #tpu.memory_space<hbm>> -> memref<632x128xf32, #tpu.memory_space<hbm>>
      %dma_start3A_25 = arith.constant 0 : i32
      %dma_start3A_26 = tpu.memref_slice %arg8[%mul3A_2, %dma_start3A_25] : memref<10112x128xf32, #tpu.memory_space<vmem_shared>> -> memref<632x128xf32, #tpu.memory_space<vmem_shared>>
      tpu.enqueue_dma source(%dma_start3A_26 : memref<632x128xf32, #tpu.memory_space<vmem_shared>>) target(%dma_start3A_24 : memref<632x128xf32, #tpu.memory_space<hbm>>) target_semaphore(%run_scoped3A : memref<!tpu.dma_semaphore, #tpu.memory_space<semaphore_mem>>)
      %dma_wait3A = arith.constant 0 : i32
      %dma_wait3A_27 = tpu.memref_slice %arg6[%arg0, %mul3A_2, %dma_wait3A] : memref<2x10112x128xf32, #tpu.memory_space<hbm>> -> memref<1x632x128xf32, #tpu.memory_space<hbm>>
      %dma_wait3A_28 = tpu.memref_squeeze %dma_wait3A_27 : memref<1x632x128xf32, #tpu.memory_space<hbm>> -> memref<632x128xf32, #tpu.memory_space<hbm>>
      %dma_wait3A_29 = arith.constant 0 : i32
      %dma_wait3A_30 = tpu.memref_slice %arg8[%mul3A_2, %dma_wait3A_29] : memref<10112x128xf32, #tpu.memory_space<vmem_shared>> -> memref<632x128xf32, #tpu.memory_space<vmem_shared>>
      tpu.wait_dma2 semaphore(%run_scoped3A : memref<!tpu.dma_semaphore, #tpu.memory_space<semaphore_mem>>) src(%dma_wait3A_30 : memref<632x128xf32, #tpu.memory_space<vmem_shared>>) dst(%dma_wait3A_28 : memref<632x128xf32, #tpu.memory_space<hbm>>)
      tpu.yield
    }) : () -> ()
    return
  }
}

#map = affine_map<(d0, d1) -> (0, 0)>
#map1 = affine_map<(d0, d1) -> (0, 0, 0)>
module attributes {stable_mosaic.version = 14 : i64} {
  func.func @_sc_agg(%arg0: i32, %arg1: i32, %arg2: memref<10240x128xf32, #tpu.memory_space<hbm>>, %arg3: memref<32x162x128xi32, #tpu.memory_space<hbm>>, %arg4: memref<632x128xf32, #tpu.memory_space<hbm>>, %arg5: memref<128x128xf32, #tpu.memory_space<hbm>>, %arg6: memref<2x10112x128xf32, #tpu.memory_space<hbm>>, %arg7: memref<162x128xi32, #tpu.memory_space<vmem>>, %arg8: memref<10112x128xf32, #tpu.memory_space<vmem_shared>>, %arg9: memref<128x128xf32, #tpu.memory_space<vmem>>, %arg10: memref<!tpu.dma_semaphore, #tpu.memory_space<semaphore_mem>>) attributes {dimension_semantics = [#tpu.dimension_semantics<core_parallel>, #tpu.dimension_semantics<subcore_parallel>], iteration_bounds = array<i64: 2, 16>, scalar_prefetch = 0 : i64, scratch_operands = 4 : i64, tpu.core_type = #tpu.core_type<sc_vector_subcore>, window_params = [{transform_indices = #map}, {transform_indices = #map1}, {transform_indices = #map}, {transform_indices = #map}, {transform_indices = #map1}]} {
    %mul3A = arith.constant 2 : i32
    %mul3A_0 = arith.muli %arg1, %mul3A : i32
    %add3A = arith.addi %mul3A_0, %arg0 : i32
    "tpu.region"() ({
      %run_scoped3A = tpu.sem_alloc : memref<!tpu.dma_semaphore, #tpu.memory_space<semaphore_mem>>
      %dma_start3A_22 = arith.constant 0 : i32
      %dma_start3A_23 = arith.constant 0 : i32
      %dma_start3A_24 = tpu.memref_slice %arg3[%add3A, %dma_start3A_22, %dma_start3A_23] : memref<32x162x128xi32, #tpu.memory_space<hbm>> -> memref<1x162x128xi32, #tpu.memory_space<hbm>>
      %dma_start3A_25 = tpu.memref_squeeze %dma_start3A_24 : memref<1x162x128xi32, #tpu.memory_space<hbm>> -> memref<162x128xi32, #tpu.memory_space<hbm>>
      %dma_start3A_26 = arith.constant 0 : i32
      %dma_start3A_27 = arith.constant 0 : i32
      %dma_start3A_28 = tpu.memref_slice %arg3[%add3A, %dma_start3A_26, %dma_start3A_27] : memref<32x162x128xi32, #tpu.memory_space<hbm>> -> memref<1x162x128xi32, #tpu.memory_space<hbm>>
      %dma_start3A_29 = tpu.memref_squeeze %dma_start3A_28 : memref<1x162x128xi32, #tpu.memory_space<hbm>> -> memref<162x128xi32, #tpu.memory_space<hbm>>
      tpu.enqueue_dma source(%dma_start3A_29 : memref<162x128xi32, #tpu.memory_space<hbm>>) target(%arg7 : memref<162x128xi32, #tpu.memory_space<vmem>>) target_semaphore(%run_scoped3A : memref<!tpu.dma_semaphore, #tpu.memory_space<semaphore_mem>>)
      %dma_wait3A = arith.constant 0 : i32
      %dma_wait3A_30 = arith.constant 0 : i32
      %dma_wait3A_31 = tpu.memref_slice %arg3[%add3A, %dma_wait3A, %dma_wait3A_30] : memref<32x162x128xi32, #tpu.memory_space<hbm>> -> memref<1x162x128xi32, #tpu.memory_space<hbm>>
      %dma_wait3A_32 = tpu.memref_squeeze %dma_wait3A_31 : memref<1x162x128xi32, #tpu.memory_space<hbm>> -> memref<162x128xi32, #tpu.memory_space<hbm>>
      %dma_wait3A_33 = arith.constant 0 : i32
      %dma_wait3A_34 = arith.constant 0 : i32
      %dma_wait3A_35 = tpu.memref_slice %arg3[%add3A, %dma_wait3A_33, %dma_wait3A_34] : memref<32x162x128xi32, #tpu.memory_space<hbm>> -> memref<1x162x128xi32, #tpu.memory_space<hbm>>
      %dma_wait3A_36 = tpu.memref_squeeze %dma_wait3A_35 : memref<1x162x128xi32, #tpu.memory_space<hbm>> -> memref<162x128xi32, #tpu.memory_space<hbm>>
      tpu.wait_dma2 semaphore(%run_scoped3A : memref<!tpu.dma_semaphore, #tpu.memory_space<semaphore_mem>>) src(%dma_wait3A_36 : memref<162x128xi32, #tpu.memory_space<hbm>>) dst(%arg7 : memref<162x128xi32, #tpu.memory_space<vmem>>)
      tpu.yield
    }) : () -> ()
    %mul3A_1 = arith.constant 632 : i32
    %mul3A_2 = arith.muli %arg1, %mul3A_1 : i32
    %eq3A = arith.constant 0 : i32
    %eq3A_3 = arith.cmpi eq, %arg0, %eq3A : i32
    %convert_element_type3A = arith.extui %eq3A_3 : i1 to i32
    %cond3A = arith.constant 0 : i32
    %cond3A_4 = arith.cmpi ne, %convert_element_type3A, %cond3A : i32
    scf.if %cond3A_4 {
      "tpu.region"() ({
        %run_scoped3A = tpu.sem_alloc : memref<!tpu.dma_semaphore, #tpu.memory_space<semaphore_mem>>
        %dma_start3A_22 = arith.constant 0 : i32
        %dma_start3A_23 = tpu.memref_slice %arg8[%mul3A_2, %dma_start3A_22] : memref<10112x128xf32, #tpu.memory_space<vmem_shared>> -> memref<632x128xf32, #tpu.memory_space<vmem_shared>>
        %dma_start3A_24 = arith.constant 0 : i32
        %dma_start3A_25 = tpu.memref_slice %arg2[%mul3A_2, %dma_start3A_24] : memref<10240x128xf32, #tpu.memory_space<hbm>> -> memref<632x128xf32, #tpu.memory_space<hbm>>
        tpu.enqueue_dma source(%dma_start3A_25 : memref<632x128xf32, #tpu.memory_space<hbm>>) target(%dma_start3A_23 : memref<632x128xf32, #tpu.memory_space<vmem_shared>>) target_semaphore(%run_scoped3A : memref<!tpu.dma_semaphore, #tpu.memory_space<semaphore_mem>>)
        %dma_wait3A = arith.constant 0 : i32
        %dma_wait3A_26 = tpu.memref_slice %arg8[%mul3A_2, %dma_wait3A] : memref<10112x128xf32, #tpu.memory_space<vmem_shared>> -> memref<632x128xf32, #tpu.memory_space<vmem_shared>>
        %dma_wait3A_27 = arith.constant 0 : i32
        %dma_wait3A_28 = tpu.memref_slice %arg2[%mul3A_2, %dma_wait3A_27] : memref<10240x128xf32, #tpu.memory_space<hbm>> -> memref<632x128xf32, #tpu.memory_space<hbm>>
        tpu.wait_dma2 semaphore(%run_scoped3A : memref<!tpu.dma_semaphore, #tpu.memory_space<semaphore_mem>>) src(%dma_wait3A_28 : memref<632x128xf32, #tpu.memory_space<hbm>>) dst(%dma_wait3A_26 : memref<632x128xf32, #tpu.memory_space<vmem_shared>>)
        tpu.yield
      }) : () -> ()
    } else {
    }
    %eq3A_5 = arith.constant 1 : i32
    %eq3A_6 = arith.cmpi eq, %arg0, %eq3A_5 : i32
    %convert_element_type3A_7 = arith.extui %eq3A_6 : i1 to i32
    %cond3A_8 = arith.constant 0 : i32
    %cond3A_9 = arith.cmpi ne, %convert_element_type3A_7, %cond3A_8 : i32
    scf.if %cond3A_9 {
      "tpu.region"() ({
        %run_scoped3A = tpu.sem_alloc : memref<!tpu.dma_semaphore, #tpu.memory_space<semaphore_mem>>
        %dma_start3A_22 = arith.constant 0 : i32
        %dma_start3A_23 = tpu.memref_slice %arg8[%mul3A_2, %dma_start3A_22] : memref<10112x128xf32, #tpu.memory_space<vmem_shared>> -> memref<632x128xf32, #tpu.memory_space<vmem_shared>>
        tpu.enqueue_dma source(%arg4 : memref<632x128xf32, #tpu.memory_space<hbm>>) target(%dma_start3A_23 : memref<632x128xf32, #tpu.memory_space<vmem_shared>>) target_semaphore(%run_scoped3A : memref<!tpu.dma_semaphore, #tpu.memory_space<semaphore_mem>>)
        %dma_wait3A = arith.constant 0 : i32
        %dma_wait3A_24 = tpu.memref_slice %arg8[%mul3A_2, %dma_wait3A] : memref<10112x128xf32, #tpu.memory_space<vmem_shared>> -> memref<632x128xf32, #tpu.memory_space<vmem_shared>>
        tpu.wait_dma2 semaphore(%run_scoped3A : memref<!tpu.dma_semaphore, #tpu.memory_space<semaphore_mem>>) src(%arg4 : memref<632x128xf32, #tpu.memory_space<hbm>>) dst(%dma_wait3A_24 : memref<632x128xf32, #tpu.memory_space<vmem_shared>>)
        tpu.yield
      }) : () -> ()
    } else {
    }
    %barrier3A = arith.constant 0 : index
    tpu.barrier barrier_id(%barrier3A)
    %dma_start3A = arith.constant 0 : i32
    %dma_start3A_10 = arith.constant 0 : i32
    %dma_start3A_11 = tpu.memref_slice %arg7[%dma_start3A, %dma_start3A_10] : memref<162x128xi32, #tpu.memory_space<vmem>> -> memref<1x128xi32, #tpu.memory_space<vmem>>
    %dma_start3A_12 = tpu.memref_squeeze %dma_start3A_11 : memref<1x128xi32, #tpu.memory_space<vmem>> -> memref<128xi32, #tpu.memory_space<vmem>>
    %dma_start3A_13 = arith.constant 0 : i32
    %dma_start3A_14 = arith.constant 0 : i32
    %dma_start3A_15 = tpu.memref_slice %arg2[%dma_start3A_13, %dma_start3A_14] : memref<10240x128xf32, #tpu.memory_space<hbm>> -> memref<10240x128xf32, #tpu.memory_space<hbm>>
    tpu.enqueue_indirect_dma source(%dma_start3A_15 : memref<10240x128xf32, #tpu.memory_space<hbm>>) target(%arg9 : memref<128x128xf32, #tpu.memory_space<vmem>>) offsets(%dma_start3A_12 : memref<128xi32, #tpu.memory_space<vmem>>) semaphore(%arg10 : memref<!tpu.dma_semaphore, #tpu.memory_space<semaphore_mem>>)
    %scan3A = arith.constant 0 : i32
    %scan3A_16 = arith.constant 0 : i32
    %scan3A_17 = arith.constant 81 : i32
    %scan3A_18 = arith.addi %scan3A_16, %scan3A_17 : i32
    %scan3A_19 = arith.constant 1 : i32
    scf.for %scan3A_22 = %scan3A_16 to %scan3A_18 step %scan3A_19  : i32 {
      tpu.wait_dma2 semaphore(%arg10 : memref<!tpu.dma_semaphore, #tpu.memory_space<semaphore_mem>>) src(%arg5 : memref<128x128xf32, #tpu.memory_space<hbm>>) dst(%arg9 : memref<128x128xf32, #tpu.memory_space<vmem>>)
      %add3A_23 = arith.constant 81 : i32
      %add3A_24 = arith.addi %add3A_23, %scan3A_22 : i32
      "tpu.region"() ({
        %run_scoped3A = tpu.sem_alloc : memref<!tpu.dma_semaphore, #tpu.memory_space<semaphore_mem>>
        %dma_start3A_34 = arith.constant 0 : i32
        %dma_start3A_35 = tpu.memref_slice %arg7[%add3A_24, %dma_start3A_34] : memref<162x128xi32, #tpu.memory_space<vmem>> -> memref<1x128xi32, #tpu.memory_space<vmem>>
        %dma_start3A_36 = tpu.memref_squeeze %dma_start3A_35 : memref<1x128xi32, #tpu.memory_space<vmem>> -> memref<128xi32, #tpu.memory_space<vmem>>
        %dma_start3A_37 = arith.constant 0 : i32
        %dma_start3A_38 = arith.constant 0 : i32
        %dma_start3A_39 = tpu.memref_slice %arg8[%dma_start3A_37, %dma_start3A_38] : memref<10112x128xf32, #tpu.memory_space<vmem_shared>> -> memref<10112x128xf32, #tpu.memory_space<vmem_shared>>
        tpu.enqueue_indirect_dma source(%arg9 : memref<128x128xf32, #tpu.memory_space<vmem>>) target(%dma_start3A_39 : memref<10112x128xf32, #tpu.memory_space<vmem_shared>>) offsets(%dma_start3A_36 : memref<128xi32, #tpu.memory_space<vmem>>) semaphore(%run_scoped3A : memref<!tpu.dma_semaphore, #tpu.memory_space<semaphore_mem>>) {add = true}
        %dma_wait3A = arith.constant 0 : i32
        %dma_wait3A_40 = tpu.memref_slice %arg7[%add3A_24, %dma_wait3A] : memref<162x128xi32, #tpu.memory_space<vmem>> -> memref<1x128xi32, #tpu.memory_space<vmem>>
        %dma_wait3A_41 = tpu.memref_squeeze %dma_wait3A_40 : memref<1x128xi32, #tpu.memory_space<vmem>> -> memref<128xi32, #tpu.memory_space<vmem>>
        %dma_wait3A_42 = arith.constant 0 : i32
        %dma_wait3A_43 = arith.constant 0 : i32
        %dma_wait3A_44 = tpu.memref_slice %arg8[%dma_wait3A_42, %dma_wait3A_43] : memref<10112x128xf32, #tpu.memory_space<vmem_shared>> -> memref<10112x128xf32, #tpu.memory_space<vmem_shared>>
        tpu.wait_indirect_dma semaphore(%run_scoped3A : memref<!tpu.dma_semaphore, #tpu.memory_space<semaphore_mem>>) src(%arg9 : memref<128x128xf32, #tpu.memory_space<vmem>>) dst(%dma_wait3A_44 : memref<10112x128xf32, #tpu.memory_space<vmem_shared>>)
        tpu.yield
      }) : () -> ()
      %add3A_25 = arith.constant 1 : i32
      %add3A_26 = arith.addi %scan3A_22, %add3A_25 : i32
      %rem3A = arith.constant 81 : i32
      %rem3A_27 = arith.remsi %add3A_26, %rem3A : i32
      %dma_start3A_28 = arith.constant 0 : i32
      %dma_start3A_29 = tpu.memref_slice %arg7[%rem3A_27, %dma_start3A_28] : memref<162x128xi32, #tpu.memory_space<vmem>> -> memref<1x128xi32, #tpu.memory_space<vmem>>
      %dma_start3A_30 = tpu.memref_squeeze %dma_start3A_29 : memref<1x128xi32, #tpu.memory_space<vmem>> -> memref<128xi32, #tpu.memory_space<vmem>>
      %dma_start3A_31 = arith.constant 0 : i32
      %dma_start3A_32 = arith.constant 0 : i32
      %dma_start3A_33 = tpu.memref_slice %arg2[%dma_start3A_31, %dma_start3A_32] : memref<10240x128xf32, #tpu.memory_space<hbm>> -> memref<10240x128xf32, #tpu.memory_space<hbm>>
      tpu.enqueue_indirect_dma source(%dma_start3A_33 : memref<10240x128xf32, #tpu.memory_space<hbm>>) target(%arg9 : memref<128x128xf32, #tpu.memory_space<vmem>>) offsets(%dma_start3A_30 : memref<128xi32, #tpu.memory_space<vmem>>) semaphore(%arg10 : memref<!tpu.dma_semaphore, #tpu.memory_space<semaphore_mem>>)
    }
    %scan3A_20 = arith.constant 81 : i32
    tpu.wait_dma2 semaphore(%arg10 : memref<!tpu.dma_semaphore, #tpu.memory_space<semaphore_mem>>) src(%arg5 : memref<128x128xf32, #tpu.memory_space<hbm>>) dst(%arg9 : memref<128x128xf32, #tpu.memory_space<vmem>>)
    %barrier3A_21 = arith.constant 0 : index
    tpu.barrier barrier_id(%barrier3A_21)
    "tpu.region"() ({
      %run_scoped3A = tpu.sem_alloc : memref<!tpu.dma_semaphore, #tpu.memory_space<semaphore_mem>>
      %dma_start3A_22 = arith.constant 0 : i32
      %dma_start3A_23 = tpu.memref_slice %arg6[%arg0, %mul3A_2, %dma_start3A_22] : memref<2x10112x128xf32, #tpu.memory_space<hbm>> -> memref<1x632x128xf32, #tpu.memory_space<hbm>>
      %dma_start3A_24 = tpu.memref_squeeze %dma_start3A_23 : memref<1x632x128xf32, #tpu.memory_space<hbm>> -> memref<632x128xf32, #tpu.memory_space<hbm>>
      %dma_start3A_25 = arith.constant 0 : i32
      %dma_start3A_26 = tpu.memref_slice %arg8[%mul3A_2, %dma_start3A_25] : memref<10112x128xf32, #tpu.memory_space<vmem_shared>> -> memref<632x128xf32, #tpu.memory_space<vmem_shared>>
      tpu.enqueue_dma source(%dma_start3A_26 : memref<632x128xf32, #tpu.memory_space<vmem_shared>>) target(%dma_start3A_24 : memref<632x128xf32, #tpu.memory_space<hbm>>) target_semaphore(%run_scoped3A : memref<!tpu.dma_semaphore, #tpu.memory_space<semaphore_mem>>)
      %dma_wait3A = arith.constant 0 : i32
      %dma_wait3A_27 = tpu.memref_slice %arg6[%arg0, %mul3A_2, %dma_wait3A] : memref<2x10112x128xf32, #tpu.memory_space<hbm>> -> memref<1x632x128xf32, #tpu.memory_space<hbm>>
      %dma_wait3A_28 = tpu.memref_squeeze %dma_wait3A_27 : memref<1x632x128xf32, #tpu.memory_space<hbm>> -> memref<632x128xf32, #tpu.memory_space<hbm>>
      %dma_wait3A_29 = arith.constant 0 : i32
      %dma_wait3A_30 = tpu.memref_slice %arg8[%mul3A_2, %dma_wait3A_29] : memref<10112x128xf32, #tpu.memory_space<vmem_shared>> -> memref<632x128xf32, #tpu.memory_space<vmem_shared>>
      tpu.wait_dma2 semaphore(%run_scoped3A : memref<!tpu.dma_semaphore, #tpu.memory_space<semaphore_mem>>) src(%dma_wait3A_30 : memref<632x128xf32, #tpu.memory_space<vmem_shared>>) dst(%dma_wait3A_28 : memref<632x128xf32, #tpu.memory_space<hbm>>)
      tpu.yield
    }) : () -> ()
    return
  }
}

#map = affine_map<(d0, d1) -> (0, 0, 0)>
module attributes {stable_mosaic.version = 14 : i64} {
  func.func @_sc_deg(%arg0: i32, %arg1: i32, %arg2: memref<32x81x128xi32, #tpu.memory_space<hbm>>, %arg3: memref<32x1x10240xf32, #tpu.memory_space<hbm>>, %arg4: memref<81x128xi32, #tpu.memory_space<vmem>>, %arg5: memref<10240xf32, #tpu.memory_space<vmem>>) attributes {dimension_semantics = [#tpu.dimension_semantics<core_parallel>, #tpu.dimension_semantics<subcore_parallel>], iteration_bounds = array<i64: 2, 16>, scalar_prefetch = 0 : i64, scratch_operands = 2 : i64, tpu.core_type = #tpu.core_type<sc_vector_subcore>, window_params = [{transform_indices = #map}, {transform_indices = #map}]} {
    %mul3A = arith.constant 2 : i32
    %mul3A_0 = arith.muli %arg1, %mul3A : i32
    %add3A = arith.addi %mul3A_0, %arg0 : i32
    "tpu.region"() ({
      %run_scoped3A_15 = tpu.sem_alloc : memref<!tpu.dma_semaphore, #tpu.memory_space<semaphore_mem>>
      %dma_start3A = arith.constant 0 : i32
      %dma_start3A_16 = arith.constant 0 : i32
      %dma_start3A_17 = tpu.memref_slice %arg2[%add3A, %dma_start3A, %dma_start3A_16] : memref<32x81x128xi32, #tpu.memory_space<hbm>> -> memref<1x81x128xi32, #tpu.memory_space<hbm>>
      %dma_start3A_18 = tpu.memref_squeeze %dma_start3A_17 : memref<1x81x128xi32, #tpu.memory_space<hbm>> -> memref<81x128xi32, #tpu.memory_space<hbm>>
      %dma_start3A_19 = arith.constant 0 : i32
      %dma_start3A_20 = arith.constant 0 : i32
      %dma_start3A_21 = tpu.memref_slice %arg2[%add3A, %dma_start3A_19, %dma_start3A_20] : memref<32x81x128xi32, #tpu.memory_space<hbm>> -> memref<1x81x128xi32, #tpu.memory_space<hbm>>
      %dma_start3A_22 = tpu.memref_squeeze %dma_start3A_21 : memref<1x81x128xi32, #tpu.memory_space<hbm>> -> memref<81x128xi32, #tpu.memory_space<hbm>>
      tpu.enqueue_dma source(%dma_start3A_22 : memref<81x128xi32, #tpu.memory_space<hbm>>) target(%arg4 : memref<81x128xi32, #tpu.memory_space<vmem>>) target_semaphore(%run_scoped3A_15 : memref<!tpu.dma_semaphore, #tpu.memory_space<semaphore_mem>>)
      %dma_wait3A = arith.constant 0 : i32
      %dma_wait3A_23 = arith.constant 0 : i32
      %dma_wait3A_24 = tpu.memref_slice %arg2[%add3A, %dma_wait3A, %dma_wait3A_23] : memref<32x81x128xi32, #tpu.memory_space<hbm>> -> memref<1x81x128xi32, #tpu.memory_space<hbm>>
      %dma_wait3A_25 = tpu.memref_squeeze %dma_wait3A_24 : memref<1x81x128xi32, #tpu.memory_space<hbm>> -> memref<81x128xi32, #tpu.memory_space<hbm>>
      %dma_wait3A_26 = arith.constant 0 : i32
      %dma_wait3A_27 = arith.constant 0 : i32
      %dma_wait3A_28 = tpu.memref_slice %arg2[%add3A, %dma_wait3A_26, %dma_wait3A_27] : memref<32x81x128xi32, #tpu.memory_space<hbm>> -> memref<1x81x128xi32, #tpu.memory_space<hbm>>
      %dma_wait3A_29 = tpu.memref_squeeze %dma_wait3A_28 : memref<1x81x128xi32, #tpu.memory_space<hbm>> -> memref<81x128xi32, #tpu.memory_space<hbm>>
      tpu.wait_dma2 semaphore(%run_scoped3A_15 : memref<!tpu.dma_semaphore, #tpu.memory_space<semaphore_mem>>) src(%dma_wait3A_29 : memref<81x128xi32, #tpu.memory_space<hbm>>) dst(%arg4 : memref<81x128xi32, #tpu.memory_space<vmem>>)
      tpu.yield
    }) : () -> ()
    %broadcast_in_dim3A = arith.constant 0.000000e+00 : f32
    %broadcast_in_dim3A_1 = vector.broadcast %broadcast_in_dim3A : f32 to vector<16xf32>
    %scan3A = arith.constant 0 : i32
    %scan3A_2 = arith.constant 0 : i32
    %scan3A_3 = arith.constant 640 : i32
    %scan3A_4 = arith.addi %scan3A_2, %scan3A_3 : i32
    %scan3A_5 = arith.constant 1 : i32
    scf.for %scan3A_15 = %scan3A_2 to %scan3A_4 step %scan3A_5  : i32 {
      %mul3A_16 = arith.constant 16 : i32
      %mul3A_17 = arith.muli %scan3A_15, %mul3A_16 : i32
      %swap3A = arith.index_cast %mul3A_17 : i32 to index
      %swap3A_18 = tpu.vector_load %arg5[%swap3A] {strides = array<i32>} : memref<10240xf32, #tpu.memory_space<vmem>>, vector<16xf32>,
      tpu.vector_store %arg5[%swap3A], %broadcast_in_dim3A_1 {strides = array<i32>} : memref<10240xf32, #tpu.memory_space<vmem>>, vector<16xf32>,
    }
    %scan3A_6 = arith.constant 640 : i32
    %broadcast_in_dim3A_7 = arith.constant 1.000000e+00 : f32
    %broadcast_in_dim3A_8 = vector.broadcast %broadcast_in_dim3A_7 : f32 to vector<16xf32>
    %scan3A_9 = arith.constant 0 : i32
    %scan3A_10 = arith.constant 0 : i32
    %scan3A_11 = arith.constant 81 : i32
    %scan3A_12 = arith.addi %scan3A_10, %scan3A_11 : i32
    %scan3A_13 = arith.constant 1 : i32
    scf.for %scan3A_15 = %scan3A_10 to %scan3A_12 step %scan3A_13  : i32 {
      %scan3A_16 = arith.constant 0 : i32
      %scan3A_17 = arith.constant 8 : i32
      %scan3A_18 = arith.addi %scan3A_16, %scan3A_17 : i32
      %scan3A_19 = arith.constant 1 : i32
      scf.for %scan3A_21 = %scan3A_16 to %scan3A_18 step %scan3A_19  : i32 {
        %mul3A_22 = arith.constant 16 : i32
        %mul3A_23 = arith.muli %scan3A_21, %mul3A_22 : i32
        %get3A = arith.index_cast %scan3A_15 : i32 to index
        %get3A_24 = arith.index_cast %mul3A_23 : i32 to index
        %get3A_25 = tpu.vector_load %arg4[%get3A, %get3A_24] {strides = array<i32>} : memref<81x128xi32, #tpu.memory_space<vmem>>, vector<16xi32>,
        tpu.vector_store_idx %arg5[%get3A_25], %broadcast_in_dim3A_8 {add = true} : memref<10240xf32, #tpu.memory_space<vmem>>[vector<16xi32>], vector<16xf32>,
      }
      %scan3A_20 = arith.constant 8 : i32
    }
    %scan3A_14 = arith.constant 81 : i32
    %run_scoped3A = arith.constant 0 : i32
    "tpu.region"() ({
      %run_scoped3A_15 = tpu.sem_alloc : memref<!tpu.dma_semaphore, #tpu.memory_space<semaphore_mem>>
      %dma_start3A = arith.constant 0 : i32
      %dma_start3A_16 = tpu.memref_slice %arg3[%add3A, %run_scoped3A, %dma_start3A] : memref<32x1x10240xf32, #tpu.memory_space<hbm>> -> memref<1x1x10240xf32, #tpu.memory_space<hbm>>
      %dma_start3A_17 = tpu.memref_squeeze %dma_start3A_16 : memref<1x1x10240xf32, #tpu.memory_space<hbm>> -> memref<10240xf32, #tpu.memory_space<hbm>>
      %dma_start3A_18 = arith.constant 0 : i32
      %dma_start3A_19 = tpu.memref_slice %arg3[%add3A, %run_scoped3A, %dma_start3A_18] : memref<32x1x10240xf32, #tpu.memory_space<hbm>> -> memref<1x1x10240xf32, #tpu.memory_space<hbm>>
      %dma_start3A_20 = tpu.memref_squeeze %dma_start3A_19 : memref<1x1x10240xf32, #tpu.memory_space<hbm>> -> memref<10240xf32, #tpu.memory_space<hbm>>
      tpu.enqueue_dma source(%arg5 : memref<10240xf32, #tpu.memory_space<vmem>>) target(%dma_start3A_20 : memref<10240xf32, #tpu.memory_space<hbm>>) target_semaphore(%run_scoped3A_15 : memref<!tpu.dma_semaphore, #tpu.memory_space<semaphore_mem>>)
      %dma_wait3A = arith.constant 0 : i32
      %dma_wait3A_21 = tpu.memref_slice %arg3[%add3A, %run_scoped3A, %dma_wait3A] : memref<32x1x10240xf32, #tpu.memory_space<hbm>> -> memref<1x1x10240xf32, #tpu.memory_space<hbm>>
      %dma_wait3A_22 = tpu.memref_squeeze %dma_wait3A_21 : memref<1x1x10240xf32, #tpu.memory_space<hbm>> -> memref<10240xf32, #tpu.memory_space<hbm>>
      %dma_wait3A_23 = arith.constant 0 : i32
      %dma_wait3A_24 = tpu.memref_slice %arg3[%add3A, %run_scoped3A, %dma_wait3A_23] : memref<32x1x10240xf32, #tpu.memory_space<hbm>> -> memref<1x1x10240xf32, #tpu.memory_space<hbm>>
      %dma_wait3A_25 = tpu.memref_squeeze %dma_wait3A_24 : memref<1x1x10240xf32, #tpu.memory_space<hbm>> -> memref<10240xf32, #tpu.memory_space<hbm>>
      tpu.wait_dma2 semaphore(%run_scoped3A_15 : memref<!tpu.dma_semaphore, #tpu.memory_space<semaphore_mem>>) src(%arg5 : memref<10240xf32, #tpu.memory_space<vmem>>) dst(%dma_wait3A_25 : memref<10240xf32, #tpu.memory_space<hbm>>)
      tpu.yield
    }) : () -> ()
    return
  }
}

#map = affine_map<(d0, d1) -> (0, 0)>
#map1 = affine_map<(d0, d1) -> (0, 0, 0)>
module attributes {stable_mosaic.version = 14 : i64} {
  func.func @_sc_agg(%arg0: i32, %arg1: i32, %arg2: memref<10240x128xf32, #tpu.memory_space<hbm>>, %arg3: memref<32x162x128xi32, #tpu.memory_space<hbm>>, %arg4: memref<632x128xf32, #tpu.memory_space<hbm>>, %arg5: memref<128x128xf32, #tpu.memory_space<hbm>>, %arg6: memref<2x10112x128xf32, #tpu.memory_space<hbm>>, %arg7: memref<162x128xi32, #tpu.memory_space<vmem>>, %arg8: memref<10112x128xf32, #tpu.memory_space<vmem_shared>>, %arg9: memref<128x128xf32, #tpu.memory_space<vmem>>, %arg10: memref<!tpu.dma_semaphore, #tpu.memory_space<semaphore_mem>>) attributes {dimension_semantics = [#tpu.dimension_semantics<core_parallel>, #tpu.dimension_semantics<subcore_parallel>], iteration_bounds = array<i64: 2, 16>, scalar_prefetch = 0 : i64, scratch_operands = 4 : i64, tpu.core_type = #tpu.core_type<sc_vector_subcore>, window_params = [{transform_indices = #map}, {transform_indices = #map1}, {transform_indices = #map}, {transform_indices = #map}, {transform_indices = #map1}]} {
    %mul3A = arith.constant 2 : i32
    %mul3A_0 = arith.muli %arg1, %mul3A : i32
    %add3A = arith.addi %mul3A_0, %arg0 : i32
    "tpu.region"() ({
      %run_scoped3A = tpu.sem_alloc : memref<!tpu.dma_semaphore, #tpu.memory_space<semaphore_mem>>
      %dma_start3A_22 = arith.constant 0 : i32
      %dma_start3A_23 = arith.constant 0 : i32
      %dma_start3A_24 = tpu.memref_slice %arg3[%add3A, %dma_start3A_22, %dma_start3A_23] : memref<32x162x128xi32, #tpu.memory_space<hbm>> -> memref<1x162x128xi32, #tpu.memory_space<hbm>>
      %dma_start3A_25 = tpu.memref_squeeze %dma_start3A_24 : memref<1x162x128xi32, #tpu.memory_space<hbm>> -> memref<162x128xi32, #tpu.memory_space<hbm>>
      %dma_start3A_26 = arith.constant 0 : i32
      %dma_start3A_27 = arith.constant 0 : i32
      %dma_start3A_28 = tpu.memref_slice %arg3[%add3A, %dma_start3A_26, %dma_start3A_27] : memref<32x162x128xi32, #tpu.memory_space<hbm>> -> memref<1x162x128xi32, #tpu.memory_space<hbm>>
      %dma_start3A_29 = tpu.memref_squeeze %dma_start3A_28 : memref<1x162x128xi32, #tpu.memory_space<hbm>> -> memref<162x128xi32, #tpu.memory_space<hbm>>
      tpu.enqueue_dma source(%dma_start3A_29 : memref<162x128xi32, #tpu.memory_space<hbm>>) target(%arg7 : memref<162x128xi32, #tpu.memory_space<vmem>>) target_semaphore(%run_scoped3A : memref<!tpu.dma_semaphore, #tpu.memory_space<semaphore_mem>>)
      %dma_wait3A = arith.constant 0 : i32
      %dma_wait3A_30 = arith.constant 0 : i32
      %dma_wait3A_31 = tpu.memref_slice %arg3[%add3A, %dma_wait3A, %dma_wait3A_30] : memref<32x162x128xi32, #tpu.memory_space<hbm>> -> memref<1x162x128xi32, #tpu.memory_space<hbm>>
      %dma_wait3A_32 = tpu.memref_squeeze %dma_wait3A_31 : memref<1x162x128xi32, #tpu.memory_space<hbm>> -> memref<162x128xi32, #tpu.memory_space<hbm>>
      %dma_wait3A_33 = arith.constant 0 : i32
      %dma_wait3A_34 = arith.constant 0 : i32
      %dma_wait3A_35 = tpu.memref_slice %arg3[%add3A, %dma_wait3A_33, %dma_wait3A_34] : memref<32x162x128xi32, #tpu.memory_space<hbm>> -> memref<1x162x128xi32, #tpu.memory_space<hbm>>
      %dma_wait3A_36 = tpu.memref_squeeze %dma_wait3A_35 : memref<1x162x128xi32, #tpu.memory_space<hbm>> -> memref<162x128xi32, #tpu.memory_space<hbm>>
      tpu.wait_dma2 semaphore(%run_scoped3A : memref<!tpu.dma_semaphore, #tpu.memory_space<semaphore_mem>>) src(%dma_wait3A_36 : memref<162x128xi32, #tpu.memory_space<hbm>>) dst(%arg7 : memref<162x128xi32, #tpu.memory_space<vmem>>)
      tpu.yield
    }) : () -> ()
    %mul3A_1 = arith.constant 632 : i32
    %mul3A_2 = arith.muli %arg1, %mul3A_1 : i32
    %eq3A = arith.constant 0 : i32
    %eq3A_3 = arith.cmpi eq, %arg0, %eq3A : i32
    %convert_element_type3A = arith.extui %eq3A_3 : i1 to i32
    %cond3A = arith.constant 0 : i32
    %cond3A_4 = arith.cmpi ne, %convert_element_type3A, %cond3A : i32
    scf.if %cond3A_4 {
      "tpu.region"() ({
        %run_scoped3A = tpu.sem_alloc : memref<!tpu.dma_semaphore, #tpu.memory_space<semaphore_mem>>
        %dma_start3A_22 = arith.constant 0 : i32
        %dma_start3A_23 = tpu.memref_slice %arg8[%mul3A_2, %dma_start3A_22] : memref<10112x128xf32, #tpu.memory_space<vmem_shared>> -> memref<632x128xf32, #tpu.memory_space<vmem_shared>>
        %dma_start3A_24 = arith.constant 0 : i32
        %dma_start3A_25 = tpu.memref_slice %arg2[%mul3A_2, %dma_start3A_24] : memref<10240x128xf32, #tpu.memory_space<hbm>> -> memref<632x128xf32, #tpu.memory_space<hbm>>
        tpu.enqueue_dma source(%dma_start3A_25 : memref<632x128xf32, #tpu.memory_space<hbm>>) target(%dma_start3A_23 : memref<632x128xf32, #tpu.memory_space<vmem_shared>>) target_semaphore(%run_scoped3A : memref<!tpu.dma_semaphore, #tpu.memory_space<semaphore_mem>>)
        %dma_wait3A = arith.constant 0 : i32
        %dma_wait3A_26 = tpu.memref_slice %arg8[%mul3A_2, %dma_wait3A] : memref<10112x128xf32, #tpu.memory_space<vmem_shared>> -> memref<632x128xf32, #tpu.memory_space<vmem_shared>>
        %dma_wait3A_27 = arith.constant 0 : i32
        %dma_wait3A_28 = tpu.memref_slice %arg2[%mul3A_2, %dma_wait3A_27] : memref<10240x128xf32, #tpu.memory_space<hbm>> -> memref<632x128xf32, #tpu.memory_space<hbm>>
        tpu.wait_dma2 semaphore(%run_scoped3A : memref<!tpu.dma_semaphore, #tpu.memory_space<semaphore_mem>>) src(%dma_wait3A_28 : memref<632x128xf32, #tpu.memory_space<hbm>>) dst(%dma_wait3A_26 : memref<632x128xf32, #tpu.memory_space<vmem_shared>>)
        tpu.yield
      }) : () -> ()
    } else {
    }
    %eq3A_5 = arith.constant 1 : i32
    %eq3A_6 = arith.cmpi eq, %arg0, %eq3A_5 : i32
    %convert_element_type3A_7 = arith.extui %eq3A_6 : i1 to i32
    %cond3A_8 = arith.constant 0 : i32
    %cond3A_9 = arith.cmpi ne, %convert_element_type3A_7, %cond3A_8 : i32
    scf.if %cond3A_9 {
      "tpu.region"() ({
        %run_scoped3A = tpu.sem_alloc : memref<!tpu.dma_semaphore, #tpu.memory_space<semaphore_mem>>
        %dma_start3A_22 = arith.constant 0 : i32
        %dma_start3A_23 = tpu.memref_slice %arg8[%mul3A_2, %dma_start3A_22] : memref<10112x128xf32, #tpu.memory_space<vmem_shared>> -> memref<632x128xf32, #tpu.memory_space<vmem_shared>>
        tpu.enqueue_dma source(%arg4 : memref<632x128xf32, #tpu.memory_space<hbm>>) target(%dma_start3A_23 : memref<632x128xf32, #tpu.memory_space<vmem_shared>>) target_semaphore(%run_scoped3A : memref<!tpu.dma_semaphore, #tpu.memory_space<semaphore_mem>>)
        %dma_wait3A = arith.constant 0 : i32
        %dma_wait3A_24 = tpu.memref_slice %arg8[%mul3A_2, %dma_wait3A] : memref<10112x128xf32, #tpu.memory_space<vmem_shared>> -> memref<632x128xf32, #tpu.memory_space<vmem_shared>>
        tpu.wait_dma2 semaphore(%run_scoped3A : memref<!tpu.dma_semaphore, #tpu.memory_space<semaphore_mem>>) src(%arg4 : memref<632x128xf32, #tpu.memory_space<hbm>>) dst(%dma_wait3A_24 : memref<632x128xf32, #tpu.memory_space<vmem_shared>>)
        tpu.yield
      }) : () -> ()
    } else {
    }
    %barrier3A = arith.constant 0 : index
    tpu.barrier barrier_id(%barrier3A)
    %dma_start3A = arith.constant 0 : i32
    %dma_start3A_10 = arith.constant 0 : i32
    %dma_start3A_11 = tpu.memref_slice %arg7[%dma_start3A, %dma_start3A_10] : memref<162x128xi32, #tpu.memory_space<vmem>> -> memref<1x128xi32, #tpu.memory_space<vmem>>
    %dma_start3A_12 = tpu.memref_squeeze %dma_start3A_11 : memref<1x128xi32, #tpu.memory_space<vmem>> -> memref<128xi32, #tpu.memory_space<vmem>>
    %dma_start3A_13 = arith.constant 0 : i32
    %dma_start3A_14 = arith.constant 0 : i32
    %dma_start3A_15 = tpu.memref_slice %arg2[%dma_start3A_13, %dma_start3A_14] : memref<10240x128xf32, #tpu.memory_space<hbm>> -> memref<10240x128xf32, #tpu.memory_space<hbm>>
    tpu.enqueue_indirect_dma source(%dma_start3A_15 : memref<10240x128xf32, #tpu.memory_space<hbm>>) target(%arg9 : memref<128x128xf32, #tpu.memory_space<vmem>>) offsets(%dma_start3A_12 : memref<128xi32, #tpu.memory_space<vmem>>) semaphore(%arg10 : memref<!tpu.dma_semaphore, #tpu.memory_space<semaphore_mem>>)
    %scan3A = arith.constant 0 : i32
    %scan3A_16 = arith.constant 0 : i32
    %scan3A_17 = arith.constant 81 : i32
    %scan3A_18 = arith.addi %scan3A_16, %scan3A_17 : i32
    %scan3A_19 = arith.constant 1 : i32
    scf.for %scan3A_22 = %scan3A_16 to %scan3A_18 step %scan3A_19  : i32 {
      tpu.wait_dma2 semaphore(%arg10 : memref<!tpu.dma_semaphore, #tpu.memory_space<semaphore_mem>>) src(%arg5 : memref<128x128xf32, #tpu.memory_space<hbm>>) dst(%arg9 : memref<128x128xf32, #tpu.memory_space<vmem>>)
      %add3A_23 = arith.constant 81 : i32
      %add3A_24 = arith.addi %add3A_23, %scan3A_22 : i32
      "tpu.region"() ({
        %run_scoped3A = tpu.sem_alloc : memref<!tpu.dma_semaphore, #tpu.memory_space<semaphore_mem>>
        %dma_start3A_34 = arith.constant 0 : i32
        %dma_start3A_35 = tpu.memref_slice %arg7[%add3A_24, %dma_start3A_34] : memref<162x128xi32, #tpu.memory_space<vmem>> -> memref<1x128xi32, #tpu.memory_space<vmem>>
        %dma_start3A_36 = tpu.memref_squeeze %dma_start3A_35 : memref<1x128xi32, #tpu.memory_space<vmem>> -> memref<128xi32, #tpu.memory_space<vmem>>
        %dma_start3A_37 = arith.constant 0 : i32
        %dma_start3A_38 = arith.constant 0 : i32
        %dma_start3A_39 = tpu.memref_slice %arg8[%dma_start3A_37, %dma_start3A_38] : memref<10112x128xf32, #tpu.memory_space<vmem_shared>> -> memref<10112x128xf32, #tpu.memory_space<vmem_shared>>
        tpu.enqueue_indirect_dma source(%arg9 : memref<128x128xf32, #tpu.memory_space<vmem>>) target(%dma_start3A_39 : memref<10112x128xf32, #tpu.memory_space<vmem_shared>>) offsets(%dma_start3A_36 : memref<128xi32, #tpu.memory_space<vmem>>) semaphore(%run_scoped3A : memref<!tpu.dma_semaphore, #tpu.memory_space<semaphore_mem>>) {add = true}
        %dma_wait3A = arith.constant 0 : i32
        %dma_wait3A_40 = tpu.memref_slice %arg7[%add3A_24, %dma_wait3A] : memref<162x128xi32, #tpu.memory_space<vmem>> -> memref<1x128xi32, #tpu.memory_space<vmem>>
        %dma_wait3A_41 = tpu.memref_squeeze %dma_wait3A_40 : memref<1x128xi32, #tpu.memory_space<vmem>> -> memref<128xi32, #tpu.memory_space<vmem>>
        %dma_wait3A_42 = arith.constant 0 : i32
        %dma_wait3A_43 = arith.constant 0 : i32
        %dma_wait3A_44 = tpu.memref_slice %arg8[%dma_wait3A_42, %dma_wait3A_43] : memref<10112x128xf32, #tpu.memory_space<vmem_shared>> -> memref<10112x128xf32, #tpu.memory_space<vmem_shared>>
        tpu.wait_indirect_dma semaphore(%run_scoped3A : memref<!tpu.dma_semaphore, #tpu.memory_space<semaphore_mem>>) src(%arg9 : memref<128x128xf32, #tpu.memory_space<vmem>>) dst(%dma_wait3A_44 : memref<10112x128xf32, #tpu.memory_space<vmem_shared>>)
        tpu.yield
      }) : () -> ()
      %add3A_25 = arith.constant 1 : i32
      %add3A_26 = arith.addi %scan3A_22, %add3A_25 : i32
      %rem3A = arith.constant 81 : i32
      %rem3A_27 = arith.remsi %add3A_26, %rem3A : i32
      %dma_start3A_28 = arith.constant 0 : i32
      %dma_start3A_29 = tpu.memref_slice %arg7[%rem3A_27, %dma_start3A_28] : memref<162x128xi32, #tpu.memory_space<vmem>> -> memref<1x128xi32, #tpu.memory_space<vmem>>
      %dma_start3A_30 = tpu.memref_squeeze %dma_start3A_29 : memref<1x128xi32, #tpu.memory_space<vmem>> -> memref<128xi32, #tpu.memory_space<vmem>>
      %dma_start3A_31 = arith.constant 0 : i32
      %dma_start3A_32 = arith.constant 0 : i32
      %dma_start3A_33 = tpu.memref_slice %arg2[%dma_start3A_31, %dma_start3A_32] : memref<10240x128xf32, #tpu.memory_space<hbm>> -> memref<10240x128xf32, #tpu.memory_space<hbm>>
      tpu.enqueue_indirect_dma source(%dma_start3A_33 : memref<10240x128xf32, #tpu.memory_space<hbm>>) target(%arg9 : memref<128x128xf32, #tpu.memory_space<vmem>>) offsets(%dma_start3A_30 : memref<128xi32, #tpu.memory_space<vmem>>) semaphore(%arg10 : memref<!tpu.dma_semaphore, #tpu.memory_space<semaphore_mem>>)
    }
    %scan3A_20 = arith.constant 81 : i32
    tpu.wait_dma2 semaphore(%arg10 : memref<!tpu.dma_semaphore, #tpu.memory_space<semaphore_mem>>) src(%arg5 : memref<128x128xf32, #tpu.memory_space<hbm>>) dst(%arg9 : memref<128x128xf32, #tpu.memory_space<vmem>>)
    %barrier3A_21 = arith.constant 0 : index
    tpu.barrier barrier_id(%barrier3A_21)
    "tpu.region"() ({
      %run_scoped3A = tpu.sem_alloc : memref<!tpu.dma_semaphore, #tpu.memory_space<semaphore_mem>>
      %dma_start3A_22 = arith.constant 0 : i32
      %dma_start3A_23 = tpu.memref_slice %arg6[%arg0, %mul3A_2, %dma_start3A_22] : memref<2x10112x128xf32, #tpu.memory_space<hbm>> -> memref<1x632x128xf32, #tpu.memory_space<hbm>>
      %dma_start3A_24 = tpu.memref_squeeze %dma_start3A_23 : memref<1x632x128xf32, #tpu.memory_space<hbm>> -> memref<632x128xf32, #tpu.memory_space<hbm>>
      %dma_start3A_25 = arith.constant 0 : i32
      %dma_start3A_26 = tpu.memref_slice %arg8[%mul3A_2, %dma_start3A_25] : memref<10112x128xf32, #tpu.memory_space<vmem_shared>> -> memref<632x128xf32, #tpu.memory_space<vmem_shared>>
      tpu.enqueue_dma source(%dma_start3A_26 : memref<632x128xf32, #tpu.memory_space<vmem_shared>>) target(%dma_start3A_24 : memref<632x128xf32, #tpu.memory_space<hbm>>) target_semaphore(%run_scoped3A : memref<!tpu.dma_semaphore, #tpu.memory_space<semaphore_mem>>)
      %dma_wait3A = arith.constant 0 : i32
      %dma_wait3A_27 = tpu.memref_slice %arg6[%arg0, %mul3A_2, %dma_wait3A] : memref<2x10112x128xf32, #tpu.memory_space<hbm>> -> memref<1x632x128xf32, #tpu.memory_space<hbm>>
      %dma_wait3A_28 = tpu.memref_squeeze %dma_wait3A_27 : memref<1x632x128xf32, #tpu.memory_space<hbm>> -> memref<632x128xf32, #tpu.memory_space<hbm>>
      %dma_wait3A_29 = arith.constant 0 : i32
      %dma_wait3A_30 = tpu.memref_slice %arg8[%mul3A_2, %dma_wait3A_29] : memref<10112x128xf32, #tpu.memory_space<vmem_shared>> -> memref<632x128xf32, #tpu.memory_space<vmem_shared>>
      tpu.wait_dma2 semaphore(%run_scoped3A : memref<!tpu.dma_semaphore, #tpu.memory_space<semaphore_mem>>) src(%dma_wait3A_30 : memref<632x128xf32, #tpu.memory_space<vmem_shared>>) dst(%dma_wait3A_28 : memref<632x128xf32, #tpu.memory_space<hbm>>)
      tpu.yield
    }) : () -> ()
    return
  }
}

module attributes {stable_mosaic.version = 14 : i64} {
  func.func @_tc_prep_body(%arg0: i32, %arg1: memref<32x1x10240xf32, #tpu.memory_space<vmem>>, %arg2: memref<1x10240xf32, #tpu.memory_space<vmem>>) attributes {dimension_semantics = [#tpu.dimension_semantics<arbitrary>], iteration_bounds = array<i64: 1>, scalar_prefetch = 0 : i64, scratch_operands = 0 : i64, tpu.core_type = #tpu.core_type<tc>, window_params = [{pipeline_mode = #tpu.pipeline_mode<synchronous>, transform_indices = @transform_0, window_bounds = array<i64: 32, 1, 10240>}, {pipeline_mode = #tpu.pipeline_mode<synchronous>, transform_indices = @transform_1, window_bounds = array<i64: 1, 10240>}]} {
    %get3A = arith.constant 0 : index
    %get3A_0 = arith.constant 0 : index
    %get3A_1 = arith.constant 0 : index
    %get3A_2 = vector.load %arg1[%get3A, %get3A_0, %get3A_1] : memref<32x1x10240xf32, #tpu.memory_space<vmem>>, vector<1x1x10240xf32>
    %get3A_3 = vector.shape_cast %get3A_2 : vector<1x1x10240xf32> to vector<1x10240xf32>
    %add3A = arith.constant 1.000000e+00 : f32
    %add3A_4 = vector.broadcast %add3A : f32 to vector<1x10240xf32>
    %add3A_5 = arith.addf %get3A_3, %add3A_4 : vector<1x10240xf32>
    %get3A_6 = arith.constant 1 : index
    %get3A_7 = arith.constant 0 : index
    %get3A_8 = arith.constant 0 : index
    %get3A_9 = vector.load %arg1[%get3A_6, %get3A_7, %get3A_8] : memref<32x1x10240xf32, #tpu.memory_space<vmem>>, vector<1x1x10240xf32>
    %get3A_10 = vector.shape_cast %get3A_9 : vector<1x1x10240xf32> to vector<1x10240xf32>
    %add3A_11 = arith.addf %add3A_5, %get3A_10 : vector<1x10240xf32>
    %get3A_12 = arith.constant 2 : index
    %get3A_13 = arith.constant 0 : index
    %get3A_14 = arith.constant 0 : index
    %get3A_15 = vector.load %arg1[%get3A_12, %get3A_13, %get3A_14] : memref<32x1x10240xf32, #tpu.memory_space<vmem>>, vector<1x1x10240xf32>
    %get3A_16 = vector.shape_cast %get3A_15 : vector<1x1x10240xf32> to vector<1x10240xf32>
    %add3A_17 = arith.addf %add3A_11, %get3A_16 : vector<1x10240xf32>
    %get3A_18 = arith.constant 3 : index
    %get3A_19 = arith.constant 0 : index
    %get3A_20 = arith.constant 0 : index
    %get3A_21 = vector.load %arg1[%get3A_18, %get3A_19, %get3A_20] : memref<32x1x10240xf32, #tpu.memory_space<vmem>>, vector<1x1x10240xf32>
    %get3A_22 = vector.shape_cast %get3A_21 : vector<1x1x10240xf32> to vector<1x10240xf32>
    %add3A_23 = arith.addf %add3A_17, %get3A_22 : vector<1x10240xf32>
    %get3A_24 = arith.constant 4 : index
    %get3A_25 = arith.constant 0 : index
    %get3A_26 = arith.constant 0 : index
    %get3A_27 = vector.load %arg1[%get3A_24, %get3A_25, %get3A_26] : memref<32x1x10240xf32, #tpu.memory_space<vmem>>, vector<1x1x10240xf32>
    %get3A_28 = vector.shape_cast %get3A_27 : vector<1x1x10240xf32> to vector<1x10240xf32>
    %add3A_29 = arith.addf %add3A_23, %get3A_28 : vector<1x10240xf32>
    %get3A_30 = arith.constant 5 : index
    %get3A_31 = arith.constant 0 : index
    %get3A_32 = arith.constant 0 : index
    %get3A_33 = vector.load %arg1[%get3A_30, %get3A_31, %get3A_32] : memref<32x1x10240xf32, #tpu.memory_space<vmem>>, vector<1x1x10240xf32>
    %get3A_34 = vector.shape_cast %get3A_33 : vector<1x1x10240xf32> to vector<1x10240xf32>
    %add3A_35 = arith.addf %add3A_29, %get3A_34 : vector<1x10240xf32>
    %get3A_36 = arith.constant 6 : index
    %get3A_37 = arith.constant 0 : index
    %get3A_38 = arith.constant 0 : index
    %get3A_39 = vector.load %arg1[%get3A_36, %get3A_37, %get3A_38] : memref<32x1x10240xf32, #tpu.memory_space<vmem>>, vector<1x1x10240xf32>
    %get3A_40 = vector.shape_cast %get3A_39 : vector<1x1x10240xf32> to vector<1x10240xf32>
    %add3A_41 = arith.addf %add3A_35, %get3A_40 : vector<1x10240xf32>
    %get3A_42 = arith.constant 7 : index
    %get3A_43 = arith.constant 0 : index
    %get3A_44 = arith.constant 0 : index
    %get3A_45 = vector.load %arg1[%get3A_42, %get3A_43, %get3A_44] : memref<32x1x10240xf32, #tpu.memory_space<vmem>>, vector<1x1x10240xf32>
    %get3A_46 = vector.shape_cast %get3A_45 : vector<1x1x10240xf32> to vector<1x10240xf32>
    %add3A_47 = arith.addf %add3A_41, %get3A_46 : vector<1x10240xf32>
    %get3A_48 = arith.constant 8 : index
    %get3A_49 = arith.constant 0 : index
    %get3A_50 = arith.constant 0 : index
    %get3A_51 = vector.load %arg1[%get3A_48, %get3A_49, %get3A_50] : memref<32x1x10240xf32, #tpu.memory_space<vmem>>, vector<1x1x10240xf32>
    %get3A_52 = vector.shape_cast %get3A_51 : vector<1x1x10240xf32> to vector<1x10240xf32>
    %add3A_53 = arith.addf %add3A_47, %get3A_52 : vector<1x10240xf32>
    %get3A_54 = arith.constant 9 : index
    %get3A_55 = arith.constant 0 : index
    %get3A_56 = arith.constant 0 : index
    %get3A_57 = vector.load %arg1[%get3A_54, %get3A_55, %get3A_56] : memref<32x1x10240xf32, #tpu.memory_space<vmem>>, vector<1x1x10240xf32>
    %get3A_58 = vector.shape_cast %get3A_57 : vector<1x1x10240xf32> to vector<1x10240xf32>
    %add3A_59 = arith.addf %add3A_53, %get3A_58 : vector<1x10240xf32>
    %get3A_60 = arith.constant 10 : index
    %get3A_61 = arith.constant 0 : index
    %get3A_62 = arith.constant 0 : index
    %get3A_63 = vector.load %arg1[%get3A_60, %get3A_61, %get3A_62] : memref<32x1x10240xf32, #tpu.memory_space<vmem>>, vector<1x1x10240xf32>
    %get3A_64 = vector.shape_cast %get3A_63 : vector<1x1x10240xf32> to vector<1x10240xf32>
    %add3A_65 = arith.addf %add3A_59, %get3A_64 : vector<1x10240xf32>
    %get3A_66 = arith.constant 11 : index
    %get3A_67 = arith.constant 0 : index
    %get3A_68 = arith.constant 0 : index
    %get3A_69 = vector.load %arg1[%get3A_66, %get3A_67, %get3A_68] : memref<32x1x10240xf32, #tpu.memory_space<vmem>>, vector<1x1x10240xf32>
    %get3A_70 = vector.shape_cast %get3A_69 : vector<1x1x10240xf32> to vector<1x10240xf32>
    %add3A_71 = arith.addf %add3A_65, %get3A_70 : vector<1x10240xf32>
    %get3A_72 = arith.constant 12 : index
    %get3A_73 = arith.constant 0 : index
    %get3A_74 = arith.constant 0 : index
    %get3A_75 = vector.load %arg1[%get3A_72, %get3A_73, %get3A_74] : memref<32x1x10240xf32, #tpu.memory_space<vmem>>, vector<1x1x10240xf32>
    %get3A_76 = vector.shape_cast %get3A_75 : vector<1x1x10240xf32> to vector<1x10240xf32>
    %add3A_77 = arith.addf %add3A_71, %get3A_76 : vector<1x10240xf32>
    %get3A_78 = arith.constant 13 : index
    %get3A_79 = arith.constant 0 : index
    %get3A_80 = arith.constant 0 : index
    %get3A_81 = vector.load %arg1[%get3A_78, %get3A_79, %get3A_80] : memref<32x1x10240xf32, #tpu.memory_space<vmem>>, vector<1x1x10240xf32>
    %get3A_82 = vector.shape_cast %get3A_81 : vector<1x1x10240xf32> to vector<1x10240xf32>
    %add3A_83 = arith.addf %add3A_77, %get3A_82 : vector<1x10240xf32>
    %get3A_84 = arith.constant 14 : index
    %get3A_85 = arith.constant 0 : index
    %get3A_86 = arith.constant 0 : index
    %get3A_87 = vector.load %arg1[%get3A_84, %get3A_85, %get3A_86] : memref<32x1x10240xf32, #tpu.memory_space<vmem>>, vector<1x1x10240xf32>
    %get3A_88 = vector.shape_cast %get3A_87 : vector<1x1x10240xf32> to vector<1x10240xf32>
    %add3A_89 = arith.addf %add3A_83, %get3A_88 : vector<1x10240xf32>
    %get3A_90 = arith.constant 15 : index
    %get3A_91 = arith.constant 0 : index
    %get3A_92 = arith.constant 0 : index
    %get3A_93 = vector.load %arg1[%get3A_90, %get3A_91, %get3A_92] : memref<32x1x10240xf32, #tpu.memory_space<vmem>>, vector<1x1x10240xf32>
    %get3A_94 = vector.shape_cast %get3A_93 : vector<1x1x10240xf32> to vector<1x10240xf32>
    %add3A_95 = arith.addf %add3A_89, %get3A_94 : vector<1x10240xf32>
    %get3A_96 = arith.constant 16 : index
    %get3A_97 = arith.constant 0 : index
    %get3A_98 = arith.constant 0 : index
    %get3A_99 = vector.load %arg1[%get3A_96, %get3A_97, %get3A_98] : memref<32x1x10240xf32, #tpu.memory_space<vmem>>, vector<1x1x10240xf32>
    %get3A_100 = vector.shape_cast %get3A_99 : vector<1x1x10240xf32> to vector<1x10240xf32>
    %add3A_101 = arith.addf %add3A_95, %get3A_100 : vector<1x10240xf32>
    %get3A_102 = arith.constant 17 : index
    %get3A_103 = arith.constant 0 : index
    %get3A_104 = arith.constant 0 : index
    %get3A_105 = vector.load %arg1[%get3A_102, %get3A_103, %get3A_104] : memref<32x1x10240xf32, #tpu.memory_space<vmem>>, vector<1x1x10240xf32>
    %get3A_106 = vector.shape_cast %get3A_105 : vector<1x1x10240xf32> to vector<1x10240xf32>
    %add3A_107 = arith.addf %add3A_101, %get3A_106 : vector<1x10240xf32>
    %get3A_108 = arith.constant 18 : index
    %get3A_109 = arith.constant 0 : index
    %get3A_110 = arith.constant 0 : index
    %get3A_111 = vector.load %arg1[%get3A_108, %get3A_109, %get3A_110] : memref<32x1x10240xf32, #tpu.memory_space<vmem>>, vector<1x1x10240xf32>
    %get3A_112 = vector.shape_cast %get3A_111 : vector<1x1x10240xf32> to vector<1x10240xf32>
    %add3A_113 = arith.addf %add3A_107, %get3A_112 : vector<1x10240xf32>
    %get3A_114 = arith.constant 19 : index
    %get3A_115 = arith.constant 0 : index
    %get3A_116 = arith.constant 0 : index
    %get3A_117 = vector.load %arg1[%get3A_114, %get3A_115, %get3A_116] : memref<32x1x10240xf32, #tpu.memory_space<vmem>>, vector<1x1x10240xf32>
    %get3A_118 = vector.shape_cast %get3A_117 : vector<1x1x10240xf32> to vector<1x10240xf32>
    %add3A_119 = arith.addf %add3A_113, %get3A_118 : vector<1x10240xf32>
    %get3A_120 = arith.constant 20 : index
    %get3A_121 = arith.constant 0 : index
    %get3A_122 = arith.constant 0 : index
    %get3A_123 = vector.load %arg1[%get3A_120, %get3A_121, %get3A_122] : memref<32x1x10240xf32, #tpu.memory_space<vmem>>, vector<1x1x10240xf32>
    %get3A_124 = vector.shape_cast %get3A_123 : vector<1x1x10240xf32> to vector<1x10240xf32>
    %add3A_125 = arith.addf %add3A_119, %get3A_124 : vector<1x10240xf32>
    %get3A_126 = arith.constant 21 : index
    %get3A_127 = arith.constant 0 : index
    %get3A_128 = arith.constant 0 : index
    %get3A_129 = vector.load %arg1[%get3A_126, %get3A_127, %get3A_128] : memref<32x1x10240xf32, #tpu.memory_space<vmem>>, vector<1x1x10240xf32>
    %get3A_130 = vector.shape_cast %get3A_129 : vector<1x1x10240xf32> to vector<1x10240xf32>
    %add3A_131 = arith.addf %add3A_125, %get3A_130 : vector<1x10240xf32>
    %get3A_132 = arith.constant 22 : index
    %get3A_133 = arith.constant 0 : index
    %get3A_134 = arith.constant 0 : index
    %get3A_135 = vector.load %arg1[%get3A_132, %get3A_133, %get3A_134] : memref<32x1x10240xf32, #tpu.memory_space<vmem>>, vector<1x1x10240xf32>
    %get3A_136 = vector.shape_cast %get3A_135 : vector<1x1x10240xf32> to vector<1x10240xf32>
    %add3A_137 = arith.addf %add3A_131, %get3A_136 : vector<1x10240xf32>
    %get3A_138 = arith.constant 23 : index
    %get3A_139 = arith.constant 0 : index
    %get3A_140 = arith.constant 0 : index
    %get3A_141 = vector.load %arg1[%get3A_138, %get3A_139, %get3A_140] : memref<32x1x10240xf32, #tpu.memory_space<vmem>>, vector<1x1x10240xf32>
    %get3A_142 = vector.shape_cast %get3A_141 : vector<1x1x10240xf32> to vector<1x10240xf32>
    %add3A_143 = arith.addf %add3A_137, %get3A_142 : vector<1x10240xf32>
    %get3A_144 = arith.constant 24 : index
    %get3A_145 = arith.constant 0 : index
    %get3A_146 = arith.constant 0 : index
    %get3A_147 = vector.load %arg1[%get3A_144, %get3A_145, %get3A_146] : memref<32x1x10240xf32, #tpu.memory_space<vmem>>, vector<1x1x10240xf32>
    %get3A_148 = vector.shape_cast %get3A_147 : vector<1x1x10240xf32> to vector<1x10240xf32>
    %add3A_149 = arith.addf %add3A_143, %get3A_148 : vector<1x10240xf32>
    %get3A_150 = arith.constant 25 : index
    %get3A_151 = arith.constant 0 : index
    %get3A_152 = arith.constant 0 : index
    %get3A_153 = vector.load %arg1[%get3A_150, %get3A_151, %get3A_152] : memref<32x1x10240xf32, #tpu.memory_space<vmem>>, vector<1x1x10240xf32>
    %get3A_154 = vector.shape_cast %get3A_153 : vector<1x1x10240xf32> to vector<1x10240xf32>
    %add3A_155 = arith.addf %add3A_149, %get3A_154 : vector<1x10240xf32>
    %get3A_156 = arith.constant 26 : index
    %get3A_157 = arith.constant 0 : index
    %get3A_158 = arith.constant 0 : index
    %get3A_159 = vector.load %arg1[%get3A_156, %get3A_157, %get3A_158] : memref<32x1x10240xf32, #tpu.memory_space<vmem>>, vector<1x1x10240xf32>
    %get3A_160 = vector.shape_cast %get3A_159 : vector<1x1x10240xf32> to vector<1x10240xf32>
    %add3A_161 = arith.addf %add3A_155, %get3A_160 : vector<1x10240xf32>
    %get3A_162 = arith.constant 27 : index
    %get3A_163 = arith.constant 0 : index
    %get3A_164 = arith.constant 0 : index
    %get3A_165 = vector.load %arg1[%get3A_162, %get3A_163, %get3A_164] : memref<32x1x10240xf32, #tpu.memory_space<vmem>>, vector<1x1x10240xf32>
    %get3A_166 = vector.shape_cast %get3A_165 : vector<1x1x10240xf32> to vector<1x10240xf32>
    %add3A_167 = arith.addf %add3A_161, %get3A_166 : vector<1x10240xf32>
    %get3A_168 = arith.constant 28 : index
    %get3A_169 = arith.constant 0 : index
    %get3A_170 = arith.constant 0 : index
    %get3A_171 = vector.load %arg1[%get3A_168, %get3A_169, %get3A_170] : memref<32x1x10240xf32, #tpu.memory_space<vmem>>, vector<1x1x10240xf32>
    %get3A_172 = vector.shape_cast %get3A_171 : vector<1x1x10240xf32> to vector<1x10240xf32>
    %add3A_173 = arith.addf %add3A_167, %get3A_172 : vector<1x10240xf32>
    %get3A_174 = arith.constant 29 : index
    %get3A_175 = arith.constant 0 : index
    %get3A_176 = arith.constant 0 : index
    %get3A_177 = vector.load %arg1[%get3A_174, %get3A_175, %get3A_176] : memref<32x1x10240xf32, #tpu.memory_space<vmem>>, vector<1x1x10240xf32>
    %get3A_178 = vector.shape_cast %get3A_177 : vector<1x1x10240xf32> to vector<1x10240xf32>
    %add3A_179 = arith.addf %add3A_173, %get3A_178 : vector<1x10240xf32>
    %get3A_180 = arith.constant 30 : index
    %get3A_181 = arith.constant 0 : index
    %get3A_182 = arith.constant 0 : index
    %get3A_183 = vector.load %arg1[%get3A_180, %get3A_181, %get3A_182] : memref<32x1x10240xf32, #tpu.memory_space<vmem>>, vector<1x1x10240xf32>
    %get3A_184 = vector.shape_cast %get3A_183 : vector<1x1x10240xf32> to vector<1x10240xf32>
    %add3A_185 = arith.addf %add3A_179, %get3A_184 : vector<1x10240xf32>
    %get3A_186 = arith.constant 31 : index
    %get3A_187 = arith.constant 0 : index
    %get3A_188 = arith.constant 0 : index
    %get3A_189 = vector.load %arg1[%get3A_186, %get3A_187, %get3A_188] : memref<32x1x10240xf32, #tpu.memory_space<vmem>>, vector<1x1x10240xf32>
    %get3A_190 = vector.shape_cast %get3A_189 : vector<1x1x10240xf32> to vector<1x10240xf32>
    %add3A_191 = arith.addf %add3A_185, %get3A_190 : vector<1x10240xf32>
    %rsqrt3A = math.rsqrt %add3A_191 : vector<1x10240xf32>
    %swap3A = arith.constant 0 : index
    %swap3A_192 = arith.constant 0 : index
    %swap3A_193 = vector.load %arg2[%swap3A, %swap3A_192] : memref<1x10240xf32, #tpu.memory_space<vmem>>, vector<1x10240xf32>
    tpu.vector_store %arg2[%swap3A, %swap3A_192], %rsqrt3A {strides = array<i32>} : memref<1x10240xf32, #tpu.memory_space<vmem>>, vector<1x10240xf32>,
    return
  }
  func.func @transform_0(%arg0: i32) -> (i32, i32, i32) {
    %c0_i32 = arith.constant 0 : i32
    %c0_i32_0 = arith.constant 0 : i32
    %c0_i32_1 = arith.constant 0 : i32
    %c0_i32_2 = arith.constant 0 : i32
    return %c0_i32, %c0_i32_0, %c0_i32_1 : i32, i32, i32
  }
  func.func @transform_1(%arg0: i32) -> (i32, i32) {
    %c0_i32 = arith.constant 0 : i32
    %c0_i32_0 = arith.constant 0 : i32
    %c0_i32_1 = arith.constant 0 : i32
    return %c0_i32, %c0_i32_0 : i32, i32
  }
}

module attributes {stable_mosaic.version = 14 : i64} {
  func.func @_tc_first_body(%arg0: i32, %arg1: memref<1000x128xf32, #tpu.memory_space<vmem>>, %arg2: memref<128x128xf32, #tpu.memory_space<vmem>>, %arg3: memref<1000x1xf32, #tpu.memory_space<vmem>>, %arg4: memref<1000x128xf32, #tpu.memory_space<vmem>>) attributes {dimension_semantics = [#tpu.dimension_semantics<arbitrary>], iteration_bounds = array<i64: 10>, scalar_prefetch = 0 : i64, scratch_operands = 0 : i64, tpu.core_type = #tpu.core_type<tc>, window_params = [{transform_indices = @transform_0, window_bounds = array<i64: 1000, 128>}, {pipeline_mode = #tpu.pipeline_mode<synchronous>, transform_indices = @transform_1, window_bounds = array<i64: 128, 128>}, {transform_indices = @transform_2, window_bounds = array<i64: 1000, 1>}, {transform_indices = @transform_3, window_bounds = array<i64: 1000, 128>}]} {
    %get3A = arith.constant 0 : index
    %get3A_0 = arith.constant 0 : index
    %get3A_1 = vector.load %arg1[%get3A, %get3A_0] : memref<1000x128xf32, #tpu.memory_space<vmem>>, vector<1000x128xf32>
    %get3A_2 = arith.constant 0 : index
    %get3A_3 = arith.constant 0 : index
    %get3A_4 = vector.load %arg2[%get3A_2, %get3A_3] : memref<128x128xf32, #tpu.memory_space<vmem>>, vector<128x128xf32>
    %dot_general3A = arith.constant dense<0.000000e+00> : vector<1000x128xf32>
    %dot_general3A_5 = tpu.matmul %get3A_1, %get3A_4, %dot_general3A {dimension_numbers = #tpu.dot_dimension_numbers<[1], [0], [0], [1], [0, 0, 1, 1], [], []>, transpose_lhs_hint = false} : vector<1000x128xf32>, vector<128x128xf32>, vector<1000x128xf32> -> vector<1000x128xf32>
    %get3A_6 = arith.constant 0 : index
    %get3A_7 = arith.constant 0 : index
    %get3A_8 = vector.load %arg3[%get3A_6, %get3A_7] : memref<1000x1xf32, #tpu.memory_space<vmem>>, vector<1000x1xf32>
    %mul3A = vector.broadcast %get3A_8 : vector<1000x1xf32> to vector<1000x128xf32>
    %mul3A_9 = arith.mulf %dot_general3A_5, %mul3A : vector<1000x128xf32>
    %swap3A = arith.constant 0 : index
    %swap3A_10 = arith.constant 0 : index
    %swap3A_11 = vector.load %arg4[%swap3A, %swap3A_10] : memref<1000x128xf32, #tpu.memory_space<vmem>>, vector<1000x128xf32>
    tpu.vector_store %arg4[%swap3A, %swap3A_10], %mul3A_9 {strides = array<i32>} : memref<1000x128xf32, #tpu.memory_space<vmem>>, vector<1000x128xf32>,
    return
  }
  func.func @transform_0(%arg0: i32) -> (i32, i32) {
    %c0_i32 = arith.constant 0 : i32
    %c0_i32_0 = arith.constant 0 : i32
    return %arg0, %c0_i32 : i32, i32
  }
  func.func @transform_1(%arg0: i32) -> (i32, i32) {
    %c0_i32 = arith.constant 0 : i32
    %c0_i32_0 = arith.constant 0 : i32
    %c0_i32_1 = arith.constant 0 : i32
    return %c0_i32, %c0_i32_0 : i32, i32
  }
  func.func @transform_2(%arg0: i32) -> (i32, i32) {
    %c0_i32 = arith.constant 0 : i32
    %c0_i32_0 = arith.constant 0 : i32
    return %arg0, %c0_i32 : i32, i32
  }
  func.func @transform_3(%arg0: i32) -> (i32, i32) {
    %c0_i32 = arith.constant 0 : i32
    %c0_i32_0 = arith.constant 0 : i32
    return %arg0, %c0_i32 : i32, i32
  }
}

module attributes {stable_mosaic.version = 14 : i64} {
  func.func @_tc_mid_body(%arg0: i32, %arg1: memref<2x1000x128xf32, #tpu.memory_space<vmem>>, %arg2: memref<1000x1xf32, #tpu.memory_space<vmem>>, %arg3: memref<1x128xf32, #tpu.memory_space<vmem>>, %arg4: memref<128x128xf32, #tpu.memory_space<vmem>>, %arg5: memref<1000x128xf32, #tpu.memory_space<vmem>>) attributes {dimension_semantics = [#tpu.dimension_semantics<arbitrary>], iteration_bounds = array<i64: 10>, scalar_prefetch = 0 : i64, scratch_operands = 0 : i64, tpu.core_type = #tpu.core_type<tc>, window_params = [{transform_indices = @transform_0, window_bounds = array<i64: 2, 1000, 128>}, {transform_indices = @transform_1, window_bounds = array<i64: 1000, 1>}, {pipeline_mode = #tpu.pipeline_mode<synchronous>, transform_indices = @transform_2, window_bounds = array<i64: 1, 128>}, {pipeline_mode = #tpu.pipeline_mode<synchronous>, transform_indices = @transform_3, window_bounds = array<i64: 128, 128>}, {transform_indices = @transform_4, window_bounds = array<i64: 1000, 128>}]} {
    %get3A = arith.constant 0 : index
    %get3A_0 = arith.constant 0 : index
    %get3A_1 = vector.load %arg2[%get3A, %get3A_0] : memref<1000x1xf32, #tpu.memory_space<vmem>>, vector<1000x1xf32>
    %get3A_2 = arith.constant 0 : index
    %get3A_3 = arith.constant 0 : index
    %get3A_4 = arith.constant 0 : index
    %get3A_5 = vector.load %arg1[%get3A_2, %get3A_3, %get3A_4] : memref<2x1000x128xf32, #tpu.memory_space<vmem>>, vector<1x1000x128xf32>
    %get3A_6 = vector.shape_cast %get3A_5 : vector<1x1000x128xf32> to vector<1000x128xf32>
    %get3A_7 = arith.constant 1 : index
    %get3A_8 = arith.constant 0 : index
    %get3A_9 = arith.constant 0 : index
    %get3A_10 = vector.load %arg1[%get3A_7, %get3A_8, %get3A_9] : memref<2x1000x128xf32, #tpu.memory_space<vmem>>, vector<1x1000x128xf32>
    %get3A_11 = vector.shape_cast %get3A_10 : vector<1x1000x128xf32> to vector<1000x128xf32>
    %add3A = arith.addf %get3A_6, %get3A_11 : vector<1000x128xf32>
    %mul3A = vector.broadcast %get3A_1 : vector<1000x1xf32> to vector<1000x128xf32>
    %mul3A_12 = arith.mulf %mul3A, %add3A : vector<1000x128xf32>
    %get3A_13 = arith.constant 0 : index
    %get3A_14 = arith.constant 0 : index
    %get3A_15 = vector.load %arg3[%get3A_13, %get3A_14] : memref<1x128xf32, #tpu.memory_space<vmem>>, vector<1x128xf32>
    %add3A_16 = vector.broadcast %get3A_15 : vector<1x128xf32> to vector<1000x128xf32>
    %add3A_17 = arith.addf %mul3A_12, %add3A_16 : vector<1000x128xf32>
    %max3A = arith.constant 0.000000e+00 : f32
    %max3A_18 = vector.broadcast %max3A : f32 to vector<1000x128xf32>
    %max3A_19 = arith.maximumf %add3A_17, %max3A_18 : vector<1000x128xf32>
    %get3A_20 = arith.constant 0 : index
    %get3A_21 = arith.constant 0 : index
    %get3A_22 = vector.load %arg4[%get3A_20, %get3A_21] : memref<128x128xf32, #tpu.memory_space<vmem>>, vector<128x128xf32>
    %dot_general3A = arith.constant dense<0.000000e+00> : vector<1000x128xf32>
    %dot_general3A_23 = tpu.matmul %max3A_19, %get3A_22, %dot_general3A {dimension_numbers = #tpu.dot_dimension_numbers<[1], [0], [0], [1], [0, 0, 1, 1], [], []>, transpose_lhs_hint = false} : vector<1000x128xf32>, vector<128x128xf32>, vector<1000x128xf32> -> vector<1000x128xf32>
    %mul3A_24 = vector.broadcast %get3A_1 : vector<1000x1xf32> to vector<1000x128xf32>
    %mul3A_25 = arith.mulf %dot_general3A_23, %mul3A_24 : vector<1000x128xf32>
    %swap3A = arith.constant 0 : index
    %swap3A_26 = arith.constant 0 : index
    %swap3A_27 = vector.load %arg5[%swap3A, %swap3A_26] : memref<1000x128xf32, #tpu.memory_space<vmem>>, vector<1000x128xf32>
    tpu.vector_store %arg5[%swap3A, %swap3A_26], %mul3A_25 {strides = array<i32>} : memref<1000x128xf32, #tpu.memory_space<vmem>>, vector<1000x128xf32>,
    return
  }
  func.func @transform_0(%arg0: i32) -> (i32, i32, i32) {
    %c0_i32 = arith.constant 0 : i32
    %c0_i32_0 = arith.constant 0 : i32
    %c0_i32_1 = arith.constant 0 : i32
    return %c0_i32, %arg0, %c0_i32_0 : i32, i32, i32
  }
  func.func @transform_1(%arg0: i32) -> (i32, i32) {
    %c0_i32 = arith.constant 0 : i32
    %c0_i32_0 = arith.constant 0 : i32
    return %arg0, %c0_i32 : i32, i32
  }
  func.func @transform_2(%arg0: i32) -> (i32, i32) {
    %c0_i32 = arith.constant 0 : i32
    %c0_i32_0 = arith.constant 0 : i32
    %c0_i32_1 = arith.constant 0 : i32
    return %c0_i32, %c0_i32_0 : i32, i32
  }
  func.func @transform_3(%arg0: i32) -> (i32, i32) {
    %c0_i32 = arith.constant 0 : i32
    %c0_i32_0 = arith.constant 0 : i32
    %c0_i32_1 = arith.constant 0 : i32
    return %c0_i32, %c0_i32_0 : i32, i32
  }
  func.func @transform_4(%arg0: i32) -> (i32, i32) {
    %c0_i32 = arith.constant 0 : i32
    %c0_i32_0 = arith.constant 0 : i32
    return %arg0, %c0_i32 : i32, i32
  }
}

module attributes {stable_mosaic.version = 14 : i64} {
  func.func @_tc_final_body(%arg0: i32, %arg1: memref<2x1000x128xf32, #tpu.memory_space<vmem>>, %arg2: memref<1000x1xf32, #tpu.memory_space<vmem>>, %arg3: memref<1x128xf32, #tpu.memory_space<vmem>>, %arg4: memref<128x64xf32, #tpu.memory_space<vmem>>, %arg5: memref<1x64xf32, #tpu.memory_space<vmem>>, %arg6: memref<1000x64xf32, #tpu.memory_space<vmem>>) attributes {dimension_semantics = [#tpu.dimension_semantics<arbitrary>], iteration_bounds = array<i64: 10>, scalar_prefetch = 0 : i64, scratch_operands = 0 : i64, tpu.core_type = #tpu.core_type<tc>, window_params = [{transform_indices = @transform_0, window_bounds = array<i64: 2, 1000, 128>}, {transform_indices = @transform_1, window_bounds = array<i64: 1000, 1>}, {pipeline_mode = #tpu.pipeline_mode<synchronous>, transform_indices = @transform_2, window_bounds = array<i64: 1, 128>}, {pipeline_mode = #tpu.pipeline_mode<synchronous>, transform_indices = @transform_3, window_bounds = array<i64: 128, 64>}, {pipeline_mode = #tpu.pipeline_mode<synchronous>, transform_indices = @transform_4, window_bounds = array<i64: 1, 64>}, {transform_indices = @transform_5, window_bounds = array<i64: 1000, 64>}]} {
    %get3A = arith.constant 0 : index
    %get3A_0 = arith.constant 0 : index
    %get3A_1 = vector.load %arg2[%get3A, %get3A_0] : memref<1000x1xf32, #tpu.memory_space<vmem>>, vector<1000x1xf32>
    %get3A_2 = arith.constant 0 : index
    %get3A_3 = arith.constant 0 : index
    %get3A_4 = arith.constant 0 : index
    %get3A_5 = vector.load %arg1[%get3A_2, %get3A_3, %get3A_4] : memref<2x1000x128xf32, #tpu.memory_space<vmem>>, vector<1x1000x128xf32>
    %get3A_6 = vector.shape_cast %get3A_5 : vector<1x1000x128xf32> to vector<1000x128xf32>
    %get3A_7 = arith.constant 1 : index
    %get3A_8 = arith.constant 0 : index
    %get3A_9 = arith.constant 0 : index
    %get3A_10 = vector.load %arg1[%get3A_7, %get3A_8, %get3A_9] : memref<2x1000x128xf32, #tpu.memory_space<vmem>>, vector<1x1000x128xf32>
    %get3A_11 = vector.shape_cast %get3A_10 : vector<1x1000x128xf32> to vector<1000x128xf32>
    %add3A = arith.addf %get3A_6, %get3A_11 : vector<1000x128xf32>
    %mul3A = vector.broadcast %get3A_1 : vector<1000x1xf32> to vector<1000x128xf32>
    %mul3A_12 = arith.mulf %mul3A, %add3A : vector<1000x128xf32>
    %get3A_13 = arith.constant 0 : index
    %get3A_14 = arith.constant 0 : index
    %get3A_15 = vector.load %arg3[%get3A_13, %get3A_14] : memref<1x128xf32, #tpu.memory_space<vmem>>, vector<1x128xf32>
    %add3A_16 = vector.broadcast %get3A_15 : vector<1x128xf32> to vector<1000x128xf32>
    %add3A_17 = arith.addf %mul3A_12, %add3A_16 : vector<1000x128xf32>
    %get3A_18 = arith.constant 0 : index
    %get3A_19 = arith.constant 0 : index
    %get3A_20 = vector.load %arg4[%get3A_18, %get3A_19] : memref<128x64xf32, #tpu.memory_space<vmem>>, vector<128x64xf32>
    %dot_general3A = arith.constant dense<0.000000e+00> : vector<1000x64xf32>
    %dot_general3A_21 = tpu.matmul %add3A_17, %get3A_20, %dot_general3A {dimension_numbers = #tpu.dot_dimension_numbers<[1], [0], [0], [1], [0, 0, 1, 1], [], []>, transpose_lhs_hint = false} : vector<1000x128xf32>, vector<128x64xf32>, vector<1000x64xf32> -> vector<1000x64xf32>
    %get3A_22 = arith.constant 0 : index
    %get3A_23 = arith.constant 0 : index
    %get3A_24 = vector.load %arg5[%get3A_22, %get3A_23] : memref<1x64xf32, #tpu.memory_space<vmem>>, vector<1x64xf32>
    %add3A_25 = vector.broadcast %get3A_24 : vector<1x64xf32> to vector<1000x64xf32>
    %add3A_26 = arith.addf %dot_general3A_21, %add3A_25 : vector<1000x64xf32>
    %swap3A = arith.constant 0 : index
    %swap3A_27 = arith.constant 0 : index
    %swap3A_28 = vector.load %arg6[%swap3A, %swap3A_27] : memref<1000x64xf32, #tpu.memory_space<vmem>>, vector<1000x64xf32>
    tpu.vector_store %arg6[%swap3A, %swap3A_27], %add3A_26 {strides = array<i32>} : memref<1000x64xf32, #tpu.memory_space<vmem>>, vector<1000x64xf32>,
    return
  }
  func.func @transform_0(%arg0: i32) -> (i32, i32, i32) {
    %c0_i32 = arith.constant 0 : i32
    %c0_i32_0 = arith.constant 0 : i32
    %c0_i32_1 = arith.constant 0 : i32
    return %c0_i32, %arg0, %c0_i32_0 : i32, i32, i32
  }
  func.func @transform_1(%arg0: i32) -> (i32, i32) {
    %c0_i32 = arith.constant 0 : i32
    %c0_i32_0 = arith.constant 0 : i32
    return %arg0, %c0_i32 : i32, i32
  }
  func.func @transform_2(%arg0: i32) -> (i32, i32) {
    %c0_i32 = arith.constant 0 : i32
    %c0_i32_0 = arith.constant 0 : i32
    %c0_i32_1 = arith.constant 0 : i32
    return %c0_i32, %c0_i32_0 : i32, i32
  }
  func.func @transform_3(%arg0: i32) -> (i32, i32) {
    %c0_i32 = arith.constant 0 : i32
    %c0_i32_0 = arith.constant 0 : i32
    %c0_i32_1 = arith.constant 0 : i32
    return %c0_i32, %c0_i32_0 : i32, i32
  }
  func.func @transform_4(%arg0: i32) -> (i32, i32) {
    %c0_i32 = arith.constant 0 : i32
    %c0_i32_0 = arith.constant 0 : i32
    %c0_i32_1 = arith.constant 0 : i32
    return %c0_i32, %c0_i32_0 : i32, i32
  }
  func.func @transform_5(%arg0: i32) -> (i32, i32) {
    %c0_i32 = arith.constant 0 : i32
    %c0_i32_0 = arith.constant 0 : i32
    return %arg0, %c0_i32 : i32, i32
  }
}

</mosaic_0001>

<sc_bundles>
// kernel: kernel.11.cloned.1.call-start
scs
__scs_entry_jumppad:
0x0: {  	(pc) =	sbr.rel $0x88, $3  }
0x1: {  	(tag) =	ssettag $0x0;
	lr =	simm.s32 $0x1  }
0x2: {  	[smem:$0x3F97] =	sst lr;
	_ =	strace $0xD0000000  }
0x3: {  	_ = 	snop  }
0x4: {  	_ = 	snop  }
0x5: {  	_ = 	snop  }
0x6: {  	_ = 	snop  }
0x7: {  	_ = 	snop  }
__scs_overlays_trampoline_lowered:
0x8: {  	[smem:$0x3FA6] =	sst s0  }
0x9: {  	[smem:$0x3FA7] =	sst s1  }
0xa: {  	[smem:$0x3FA8] =	sst s2  }
0xb: {  	[smem:$0x3FA9] =	sst s3  }
0xc: {  	[smem:$0x3FAA] =	sst s4  }
0xd: {  	[smem:$0x3FAB] =	sst s5  }
0xe: {  	[smem:$0x3FAC] =	sst s6  }
0xf: {  	[smem:$0x3FAD] =	sst s7  }
0x10: {  	[smem:$0x3FAE] =	sst s8  }
0x11: {  	[smem:$0x3FAF] =	sst s9;
	s0 =	simm.s32 @!p0 $0x0  }
0x12: {  	s1 =	sld [smem:$0x3F95];
	s0 =	simm.s32 @p0 $0x1  }
0x13: {  	[smem:$0x3FB0] =	sst s0;
	s0 =	simm.s32 @!p1 $0x0  }
0x14: {  	s2 =	sld [smem:$0x3F94];
	s0 =	simm.s32 @p1 $0x1  }
0x15: {  	[smem:$0x3FB1] =	sst s0;
	s0 =	simm.s32 @!p2 $0x0  }
0x16: {  	s3 =	sld [smem:$0x3FDB];
	s0 =	simm.s32 @p2 $0x1  }
0x17: {  	s4 =	simm.s32 $0x1BF5;
	[smem:$0x3FB3] =	sst s0  }
0x18: {  	s0 =	sld [smem:$0x3F96];
	_ =	swait.ge [sflag:s4], $0x0  }
0x19: {  	s7 =	sld [smem:$0x3F97]  }
0x1a: {  	s8 =	sadd.s32 $0xFFFFE003, lr  }
0x1b: {  	s9 =	sadd.s32 $0xFFFFFEF7, lr;
	s5 =	simm.s32 $0xFFFFFFFF;
	p2 =	slt.u32 s8, $0xFFFFF086  }
0x1c: {  	p1 =	slt.u32 s9, $0xF7A;
	s5 =	simm.s32 @!p2 $0x0  }
0x1d: {  	s5 =	simm.s32 @p1 $0x1;
	p0 =	seq.s32 s7, s2  }
0x1e: {  	s7 =	smul.u32 @!p0 $0xF7A, s2;
	p2 =	seq.s32 @!p0 s5, $0x0  }
0x1f: {  	s9 =	smul.u32 $0xF7A, s1;
	s8 =	simm.s32 @!p0 $0x1BF5;
	p2 =	por !p2, p0  }
0x20: {  	[sflag:s8] =	ssyncset.s32 @!p0 $0xFFFFF086;
	s6 =	sadd.s32 @!p0 s3, s7;
	s7 =	simm.s32 @!p0 $0x108  }
0x21: {  	s3 =	sadd.s32 s3, s9;
	s6 =	sadd.s32 @!p0 $0x88, s6;
	s7 =	simm.s32 @p2 $0x1082  }
0x22: {  	[simem:s7], [sflag:s8] =	dma.local @!p0 [hbm:s6], $0xF7A  }
0x23: {  	s9 =	sor.u32 $0xD0000000, s2;
	s6 =	simm.s32 $0x108;
	_ =	swait.ge @!p0 [sflag:s8], $0x0  }
0x24: {  	s3 =	sadd.s32 $0x88, s3;
	s6 =	simm.s32 @!p1 $0x1082;
	[sflag:s4] =	ssyncset.s32 $0xFFFFF086  }
0x25: {  	[simem:s6], [sflag:s4] =	dma.local [hbm:s3], $0xF7A  }
0x26: {  	[smem:$0x3F97] =	sst s1;
	(tag) =	ssettag s2;
	_ =	strace s9  }
0x27: {  	s1 =	sld [smem:$0x3FA7]  }
0x28: {  	s2 =	sld [smem:$0x3FA8]  }
0x29: {  	s4 =	sld [smem:$0x3FAA]  }
0x2a: {  	p0 =	seq.s32 s5, $0x0;
	s5 =	sld [smem:$0x3FAB]  }
0x2b: {  	s6 =	sld [smem:$0x3FAC]  }
0x2c: {  	s7 =	sld [smem:$0x3FAD]  }
0x2d: {  	s3 =	simm.s32 $0x108;
	s8 =	sld [smem:$0x3FAE]  }
0x2e: {  	s3 =	simm.s32 @!p0 $0x1082;
	s9 =	sld [smem:$0x3FAF]  }
0x2f: {  	lr =	sadd.s32 s0, s3;
	s0 =	sld [smem:$0x3FA6]  }
0x30: {  	s3 =	sld [smem:$0x3FA9]  }
0x31: {  	[smem:$0x3FB2] =	sst s10  }
0x32: {  	s10 =	sld [smem:$0x3FB0];
	_ =	sdelay $0x3  }
0x33: {  	p0 =	seq.s32 s10, $0x1;
	s10 =	sld [smem:$0x3FB2];
	_ =	sdelay $0x3  }
0x34: {  	[smem:$0x3FB2] =	sst s10  }
0x35: {  	s10 =	sld [smem:$0x3FB1];
	_ =	sdelay $0x3  }
0x36: {  	p1 =	seq.s32 s10, $0x1;
	s10 =	sld [smem:$0x3FB2];
	_ =	sdelay $0x3  }
0x37: {  	[smem:$0x3FB2] =	sst s10  }
0x38: {  	s10 =	sld [smem:$0x3FB3]  }
0x39: {  	_ = 	snop;
	(pc) =	sbr.ind lr, $3  }
0x3a: {  	_ = 	snop  }
0x3b: {  	_ = 	snop  }
0x3c: {  	p2 =	seq.s32 s10, $0x1;
	s10 =	sld [smem:$0x3FB2]  }
0x3d: {  	_ =	shalt  }
0x3e: {  	_ =	shalt  }
0x3f: {  	_ =	shalt  }
0x40: {  	_ =	shalt  }
0x41: {  	_ =	shalt  }
0x42: {  	_ =	shalt  }
0x43: {  	_ =	shalt  }
0x44: {  	_ =	shalt  }
0x45: {  	_ =	shalt  }
0x46: {  	_ =	shalt  }
0x47: {  	_ =	shalt  }
0x48: {  	_ =	shalt  }
0x49: {  	_ =	shalt  }
0x4a: {  	_ =	shalt  }
0x4b: {  	_ =	shalt  }
0x4c: {  	_ =	shalt  }
0x4d: {  	_ =	shalt  }
0x4e: {  	_ =	shalt  }
0x4f: {  	_ =	shalt  }
0x50: {  	_ =	shalt  }
0x51: {  	_ =	shalt  }
0x52: {  	_ =	shalt  }
0x53: {  	_ =	shalt  }
0x54: {  	_ =	shalt  }
0x55: {  	_ =	shalt  }
0x56: {  	_ =	shalt  }
0x57: {  	_ =	shalt  }
0x58: {  	_ =	shalt  }
0x59: {  	_ =	shalt  }
0x5a: {  	_ =	shalt  }
0x5b: {  	_ =	shalt  }
0x5c: {  	_ =	shalt  }
0x5d: {  	_ =	shalt  }
0x5e: {  	_ =	shalt  }
0x5f: {  	_ =	shalt  }
0x60: {  	_ =	shalt  }
0x61: {  	_ =	shalt  }
0x62: {  	_ =	shalt  }
0x63: {  	_ =	shalt  }
0x64: {  	_ =	shalt  }
0x65: {  	_ =	shalt  }
0x66: {  	_ =	shalt  }
0x67: {  	_ =	shalt  }
0x68: {  	_ =	shalt  }
0x69: {  	_ =	shalt  }
0x6a: {  	_ =	shalt  }
0x6b: {  	_ =	shalt  }
0x6c: {  	_ =	shalt  }
0x6d: {  	_ =	shalt  }
0x6e: {  	_ =	shalt  }
0x6f: {  	_ =	shalt  }
0x70: {  	_ =	shalt  }
0x71: {  	_ =	shalt  }
0x72: {  	_ =	shalt  }
0x73: {  	_ =	shalt  }
0x74: {  	_ =	shalt  }
0x75: {  	_ =	shalt  }
0x76: {  	_ =	shalt  }
0x77: {  	_ =	shalt  }
0x78: {  	_ =	shalt  }
0x79: {  	_ =	shalt  }
0x7a: {  	_ =	shalt  }
0x7b: {  	_ =	shalt  }
0x7c: {  	_ =	shalt  }
0x7d: {  	_ =	shalt  }
0x7e: {  	_ =	shalt  }
0x7f: {  	_ =	shalt  }
0x80: {  	_ =	shalt  }
0x81: {  	_ =	shalt  }
0x82: {  	_ =	shalt  }
0x83: {  	_ =	shalt  }
0x84: {  	_ =	shalt  }
0x85: {  	_ =	shalt  }
0x86: {  	_ =	shalt  }
0x87: {  	_ =	shalt  }
.Lfunc_end0:
.L_simem_size_0:
called_computation_lowered:
.L_overlay_start_0:
0x88: {  	s2 =	sld [smem:$0x3FD9]  }
0x89: {  	s3 =	sld [smem:$0x3FFE];
	_ =	sdelay $0x1  }
0x8a: {  	s1 =	srdreg.scid  }
0x8b: {  	s0 =	sand.u32 $0x1, s1  }
0x8c: {  	s17 =	sshll.u32 s0, $0xA;
	s2 =	sadd.s32 s3, s2  }
0x8d: {  	s2 =	sadd.s32 s2, s17  }
0x8e: {  	[smem:$0x3FBE] =	sst s2  }
0x8f: {  	_ = 	snop  }
0x90: {  	s2 =	sld [smem:$0x3FD0];
	(tm) =	ssettm $0x1  }
0x91: {  	s18 =	sld [smem:$0x3FFB];
	_ =	sdelay $0x3  }
0x92: {  	_ =	strace s18  }
0x93: {  	s3 =	sld [smem:$0x3FFC];
	_ =	sdelay $0x3  }
0x94: {  	_ =	strace s3  }
0x95: {  	s3 =	sld [smem:$0x3FFD];
	_ =	sdelay $0x3  }
0x96: {  	_ =	strace s3  }
0x97: {  	_ =	strace $0x8FFFFFFF  }
0x98: {  	s19 =	sld [smem:$0x3FDB];
	_ =	sdelay $0x1  }
0x99: {  	s4 =	simm.s32 $_scs_section_size  }
0x9a: {  	s5 =	simm.s32 $_size__tile_overlayer_lowered;
	s6 =	simm.s32 $_tile_overlayer_lowered  }
0x9b: {  	s22 =	simm.s32 $0x1BFF;
	s21 =	sshll.u32 s6, $0x1;
	s3 =	sadd.s32 s4, s19  }
0x9c: {  	s7 =	simm.s32 $0x0;
	s20 =	sshll.u32 s5, $0x1;
	s5 =	sadd.s32 s21, s3  }
0x9d: {  	[timem:s7], [sflag:s22] =	dma.local [hbm:s5], s20  }
0x9e: {  	_ =	swait.ge [sflag:s22], s20  }
0x9f: {  	s4 =	ssub.s32 $0x0, s20;
	[sflag:s22] =	ssyncset.done $0x0  }
0xa0: {  	[sflag:s22] =	ssyncadd.s32 s4;
	_ =	sdelay $0x1  }
0xa1: {  	s23 =	simm.s32 $0x1B8B  }
0xa2: {  	_ =	swait.ge [sflag:s23], $0x1  }
0xa3: {  	[sflag:s23] =	ssyncset.done $0x0  }
0xa4: {  	s25 =	simm.s32 $0x1B8E;
	s24 =	sld [smem:$0x3FFE];
	[sflag:s23] =	ssyncadd.s32 $0xFFFFFFFF  }
0xa5: {  	s26 =	simm.s32 $execute0_lowered;
	[smem:$0x3FD2] =	sst s25  }
0xa6: {  	s5 =	sshll.u32 s26, $0x1;
	_ =	strace $0x80000046;
	[dreg:$0x1] =	wrdreg $0xFFFFFFFF  }
0xa7: {  	s28 =	simm.s32 $_size_execute0_lowered;
	s3 =	sadd.s32 s3, s5;
	[dreg:$0x0] =	wrdreg $0x0  }
0xa8: {  	s5 =	sshll.u32 s28, $0x1;
	[dreg:$0x2] =	wrdreg s3  }
0xa9: {  	[dreg:$0x3] =	wrdreg s5  }
0xaa: {  	[dreg:$0x4] =	wrdreg $0xC0  }
0xab: {  	_ =	task [dreg:s7], $0x5FFFF  }
0xac: {  	[dreg:$0x1] =	wrdreg $0xFFFFFFFF  }
0xad: {  	[dreg:$0x0] =	wrdreg $0x60  }
0xae: {  	[dreg:$0x2] =	wrdreg s2  }
0xaf: {  	[dreg:$0x3] =	wrdreg s24  }
0xb0: {  	[dreg:$0x4] =	wrdreg $0x9  }
0xb1: {  	_ =	task.clear_ibuf [dreg:s7], $0x5FFFF;
	_ =	strace $0x90000046  }
0xb2: {  	s29 =	simm.s32 $0x9;
	_ =	strace $0x80000048  }
0xb3: {  	_ =	swait.ge [sflag:s29], $0x1  }
0xb4: {  	[sflag:s29] =	ssyncadd.s32 $0xFFFFFFFF  }
0xb5: {  	_ =	strace $0x90000048  }
0xb6: {  	_ =	sfence  }
0xb7: {  	s30 =	sld [smem:$0x0];
	_ =	sdelay $0x2  }
0xb8: {  	s31 =	sshll.u32 s1, $0xD;
	s1 =	sshrl.u32 s1, $0x2  }
0xb9: {  	s3 =	sand.u32 $0x4000, s31;
	s1 =	sadd.s32 s1, s30  }
0xba: {  	s0 =	sor.u32 s3, s0;
	s1 =	sshll.u32 s1, $0x11  }
0xbb: {  	s0 =	sor.u32 s1, s0  }
0xbc: {  	s0 =	sadd.s32 $0x8F2B, s0  }
0xbd: {  	[sflag:s0] =	ssyncadd.remote.s32 $0x1  }
0xbe: {  	_ =	sfence.sel $0xFFFF  }
0xbf: {  	[dreg:$0x0] =	wrdreg $0xFFFFFFFF;
	(pc) =	sbr.abs _section_cstart, $3  }
0xc0: {  	[dreg:$0x1] =	wrdreg $0xFFFFFFFF  }
0xc1: {  	_ =	task.clear_ibuf [dreg:s7], $0x2FFFF;
	_ =	strace $0x9FFFFFFF  }
0xc2: {  	(tm) =	ssettm $0x7FFFFFFF  }
0xc3: {  	_ =	shalt  }
tec
execute0_lowered:
.L_overlay_start_1:
0x0: {  	(tag) =	ssettag $0x1  }
0x1: {  	s3 =	rddreg [dreg:$0x0]  }
0x2: {  	s1 =	srdreg.scid;
	s0 =	stileid.u32  }
0x3: {  	s4 =	rddreg [dreg:$0x1];
	s5 =	sand.u32 $0x1, s1;
	s2 =	sshll.u32 s0, $0x1  }
0x4: {  	s1 =	rddreg [dreg:$0x2];
	s6 =	sor.u32 s5, s2  }
0x5: {  	s2 =	simm.s32 $0x0;
	s5 =	ssub.s32 $0x2, s5;
	s7 =	smul.u32 $0x500, s6  }
0x6: {  	[smem:$0x7FF] =	sst s2;
	s8 =	sshrl.u32 s5, $0x1;
	s6 =	smul.u32 $0x580, s6  }
0x7: {  	_ =	strace $0x80000047;
	s5 =	ssub.s32 s5, s8;
	s8 =	simm.s32 $0x0  }
0x8: {  	s4 =	sadd.s32 s7, s4;
	s3 =	sadd.s32 s3, s6;
	s5 =	smax.u32 s5, $0x1  }
0x9: {  	v0 =	vimm.f32 $0.0e+00;
	v1 =	vimm.f32 $1.000000000e+00;
	s6 =	simm.s32 $0x1;
	s7 =	simm.s32 $0x2C00;
	s4 =	sadd.s32 $0x3200, s4  }
.LBB2_1:
0xa: {  	[tilespmem:s2], [sflag:$0x1] =	stream.linear.gather [hbm4b:s3+s2], $0x2880, $0x38;
	[tilespmem:$0x5400] =	vst v63  }
0xb: {  	_ =	swait.ge [sflag:s6], $0x2880  }
0xc: {  	[sflag:s6] =	ssyncset.done $0x0  }
0xd: {  	s9 =	simm.s32 $0x0;
	[sflag:s6] =	ssyncadd.s32 $0xFFFFD780  }
.LBB2_2:
0xe: {  	p0 =	sne.s32 s9, $0x9FC0  }
.Ltmp0:
0xf: {  	_ = 	snop;
	(pc) =	sbr.rel @p0 .LBB2_2-.Ltmp0, $3  }
0x10: {  	_ =	sdelay $0x1  }
0x11: {  	s10 =	sshra.s32 s9, $0x2  }
0x12: {  	s9 =	sadd.s32 $0x40, s9;
	[tilespmem:s10+$0x2C00] =	vst v0  }
0x13: {  	s9 =	simm.s32 $0x1C0  }
.LBB2_4:
0x14: {  	s10 =	sshra.s32 s9, $0x2  }
0x15: {  	v2 =	vld [tilespmem:s10+$0xFFFFFF90];
	_ =	sdelay $0x7  }
0x16: {  	[tilespmem:v2+s7+$0x0] =	vst.idx.add.f32.msk $0xffff, v1  }
0x17: {  	v2 =	vld [tilespmem:s10+$0xFFFFFFA0];
	_ =	sdelay $0x7  }
0x18: {  	[tilespmem:v2+s7+$0x0] =	vst.idx.add.f32.msk $0xffff, v1  }
0x19: {  	v2 =	vld [tilespmem:s10+$0xFFFFFFB0];
	_ =	sdelay $0x7  }
0x1a: {  	[tilespmem:v2+s7+$0x0] =	vst.idx.add.f32.msk $0xffff, v1  }
0x1b: {  	v2 =	vld [tilespmem:s10+$0xFFFFFFC0];
	_ =	sdelay $0x7  }
0x1c: {  	[tilespmem:v2+s7+$0x0] =	vst.idx.add.f32.msk $0xffff, v1  }
0x1d: {  	v2 =	vld [tilespmem:s10+$0xFFFFFFD0];
	_ =	sdelay $0x7  }
0x1e: {  	[tilespmem:v2+s7+$0x0] =	vst.idx.add.f32.msk $0xffff, v1  }
0x1f: {  	v2 =	vld [tilespmem:s10+$0xFFFFFFE0];
	_ =	sdelay $0x7  }
0x20: {  	[tilespmem:v2+s7+$0x0] =	vst.idx.add.f32.msk $0xffff, v1  }
0x21: {  	v2 =	vld [tilespmem:s10+$0xFFFFFFF0];
	_ =	sdelay $0x7  }
0x22: {  	[tilespmem:v2+s7+$0x0] =	vst.idx.add.f32.msk $0xffff, v1  }
0x23: {  	v2 =	vld [tilespmem:s10+$0x0];
	_ =	sdelay $0x2  }
0x24: {  	p0 =	sne.s32 s9, $0xA1C0  }
.Ltmp1:
0x25: {  	_ = 	snop;
	(pc) =	sbr.rel @p0 .LBB2_4-.Ltmp1, $2  }
0x26: {  	_ =	sdelay $0x2  }
0x27: {  	s9 =	sadd.s32 $0x200, s9;
	[tilespmem:v2+s7+$0x0] =	vst.idx.add.f32.msk $0xffff, v1  }
0x28: {  	s8 =	sadd.s32 $0x1, s8  }
0x29: {  	p0 =	sne.s32 s8, s5  }
.Ltmp2:
0x2a: {  	_ = 	snop;
	(pc) =	sbr.rel @p0 .LBB2_1-.Ltmp2, $4  }
0x2b: {  	[hbm4b:s4+s2] =	stream.linear.scatter [tilespmem:s7], [sflag:$0x1], $0x2800, $0x38;
	[tilespmem:$0x5400] =	vst v63  }
0x2c: {  	_ =	swait.ge [sflag:s6], $0x2800  }
0x2d: {  	[sflag:s6] =	ssyncset.done $0x0  }
0x2e: {  	[sflag:s6] =	ssyncadd.s32 $0xFFFFD800  }
0x2f: {  	_ =	sfence.sel $0x180000  }
0x30: {  	[bflag:$0x0] =	sbarrier.arrive $0xFFFF  }
0x31: {  	p0 =	sne.s32 s0, $0x0;
	_ =	strace $0x90000047  }
0x32: {  	s0 =	sadd.s32 @!p0 $0x100000, s1;
	[bflag:$0x2] =	sbarrier.arrive $0xFFFF  }
0x33: {  	[sflag:s0] =	ssyncadd.tile.s32 @!p0 $0x1;
	_ =	shalt  }
.Lfunc_end2:
_tile_overlayer_lowered:
.L_overlay_start_2:
0x34: {  	(tag) =	ssettag $0x2  }
0x35: {  	s0 =	rddreg [dreg:$0x0];
	s2 =	stileid.u32  }
0x36: {  	s1 =	rddreg [dreg:$0x1];
	p0 =	sne.s32 s2, $0x0  }
0x37: {  	s3 =	rddreg [dreg:$0x2];
	[bflag:$0x3] =	sbarrier.arrive $0xFFFF;
	s2 =	simm.s32 @!p0 $0x1C01  }
0x38: {  	[timem:s3], [sflag:s2] =	dma.local @!p0 [hbm:s0], s1  }
0x39: {  	s0 =	simm.s32 @!p0 $0x1  }
0x3a: {  	_ =	swait.ge @!p0 [sflag:s0], s1  }
0x3b: {  	s1 =	ssub.s32 @!p0 $0x0, s1;
	[sflag:s0] =	ssyncset.done @!p0 $0x0  }
0x3c: {  	[sflag:s0] =	ssyncadd.s32 @!p0 s1  }
0x3d: {  	[bflag:$0x3] =	sbarrier.arrive $0xFFFF  }
0x3e: {  	_ =	shalt  }

// kernel: kernel.14.cloned.1.call-start
scs
__scs_entry_jumppad:
0x0: {  	(pc) =	sbr.rel $0x88, $3  }
0x1: {  	(tag) =	ssettag $0x0;
	lr =	simm.s32 $0x1  }
0x2: {  	[smem:$0x3F97] =	sst lr;
	_ =	strace $0xD0000000  }
0x3: {  	_ = 	snop  }
0x4: {  	_ = 	snop  }
0x5: {  	_ = 	snop  }
0x6: {  	_ = 	snop  }
0x7: {  	_ = 	snop  }
__scs_overlays_trampoline_lowered:
0x8: {  	[smem:$0x3FA6] =	sst s0  }
0x9: {  	[smem:$0x3FA7] =	sst s1  }
0xa: {  	[smem:$0x3FA8] =	sst s2  }
0xb: {  	[smem:$0x3FA9] =	sst s3  }
0xc: {  	[smem:$0x3FAA] =	sst s4  }
0xd: {  	[smem:$0x3FAB] =	sst s5  }
0xe: {  	[smem:$0x3FAC] =	sst s6  }
0xf: {  	[smem:$0x3FAD] =	sst s7  }
0x10: {  	[smem:$0x3FAE] =	sst s8  }
0x11: {  	[smem:$0x3FAF] =	sst s9;
	s0 =	simm.s32 @!p0 $0x0  }
0x12: {  	s1 =	sld [smem:$0x3F95];
	s0 =	simm.s32 @p0 $0x1  }
0x13: {  	[smem:$0x3FB0] =	sst s0;
	s0 =	simm.s32 @!p1 $0x0  }
0x14: {  	s2 =	sld [smem:$0x3F94];
	s0 =	simm.s32 @p1 $0x1  }
0x15: {  	[smem:$0x3FB1] =	sst s0;
	s0 =	simm.s32 @!p2 $0x0  }
0x16: {  	s3 =	sld [smem:$0x3FDB];
	s0 =	simm.s32 @p2 $0x1  }
0x17: {  	s4 =	simm.s32 $0x1BF5;
	[smem:$0x3FB3] =	sst s0  }
0x18: {  	s0 =	sld [smem:$0x3F96];
	_ =	swait.ge [sflag:s4], $0x0  }
0x19: {  	s7 =	sld [smem:$0x3F97]  }
0x1a: {  	s8 =	sadd.s32 $0xFFFFE003, lr  }
0x1b: {  	s9 =	sadd.s32 $0xFFFFFEF7, lr;
	s5 =	simm.s32 $0xFFFFFFFF;
	p2 =	slt.u32 s8, $0xFFFFF086  }
0x1c: {  	p1 =	slt.u32 s9, $0xF7A;
	s5 =	simm.s32 @!p2 $0x0  }
0x1d: {  	s5 =	simm.s32 @p1 $0x1;
	p0 =	seq.s32 s7, s2  }
0x1e: {  	s7 =	smul.u32 @!p0 $0xF7A, s2;
	p2 =	seq.s32 @!p0 s5, $0x0  }
0x1f: {  	s9 =	smul.u32 $0xF7A, s1;
	s8 =	simm.s32 @!p0 $0x1BF5;
	p2 =	por !p2, p0  }
0x20: {  	[sflag:s8] =	ssyncset.s32 @!p0 $0xFFFFF086;
	s6 =	sadd.s32 @!p0 s3, s7;
	s7 =	simm.s32 @!p0 $0x108  }
0x21: {  	s3 =	sadd.s32 s3, s9;
	s6 =	sadd.s32 @!p0 $0x88, s6;
	s7 =	simm.s32 @p2 $0x1082  }
0x22: {  	[simem:s7], [sflag:s8] =	dma.local @!p0 [hbm:s6], $0xF7A  }
0x23: {  	s9 =	sor.u32 $0xD0000000, s2;
	s6 =	simm.s32 $0x108;
	_ =	swait.ge @!p0 [sflag:s8], $0x0  }
0x24: {  	s3 =	sadd.s32 $0x88, s3;
	s6 =	simm.s32 @!p1 $0x1082;
	[sflag:s4] =	ssyncset.s32 $0xFFFFF086  }
0x25: {  	[simem:s6], [sflag:s4] =	dma.local [hbm:s3], $0xF7A  }
0x26: {  	[smem:$0x3F97] =	sst s1;
	(tag) =	ssettag s2;
	_ =	strace s9  }
0x27: {  	s1 =	sld [smem:$0x3FA7]  }
0x28: {  	s2 =	sld [smem:$0x3FA8]  }
0x29: {  	s4 =	sld [smem:$0x3FAA]  }
0x2a: {  	p0 =	seq.s32 s5, $0x0;
	s5 =	sld [smem:$0x3FAB]  }
0x2b: {  	s6 =	sld [smem:$0x3FAC]  }
0x2c: {  	s7 =	sld [smem:$0x3FAD]  }
0x2d: {  	s3 =	simm.s32 $0x108;
	s8 =	sld [smem:$0x3FAE]  }
0x2e: {  	s3 =	simm.s32 @!p0 $0x1082;
	s9 =	sld [smem:$0x3FAF]  }
0x2f: {  	lr =	sadd.s32 s0, s3;
	s0 =	sld [smem:$0x3FA6]  }
0x30: {  	s3 =	sld [smem:$0x3FA9]  }
0x31: {  	[smem:$0x3FB2] =	sst s10  }
0x32: {  	s10 =	sld [smem:$0x3FB0];
	_ =	sdelay $0x3  }
0x33: {  	p0 =	seq.s32 s10, $0x1;
	s10 =	sld [smem:$0x3FB2];
	_ =	sdelay $0x3  }
0x34: {  	[smem:$0x3FB2] =	sst s10  }
0x35: {  	s10 =	sld [smem:$0x3FB1];
	_ =	sdelay $0x3  }
0x36: {  	p1 =	seq.s32 s10, $0x1;
	s10 =	sld [smem:$0x3FB2];
	_ =	sdelay $0x3  }
0x37: {  	[smem:$0x3FB2] =	sst s10  }
0x38: {  	s10 =	sld [smem:$0x3FB3]  }
0x39: {  	_ = 	snop;
	(pc) =	sbr.ind lr, $3  }
0x3a: {  	_ = 	snop  }
0x3b: {  	_ = 	snop  }
0x3c: {  	p2 =	seq.s32 s10, $0x1;
	s10 =	sld [smem:$0x3FB2]  }
0x3d: {  	_ =	shalt  }
0x3e: {  	_ =	shalt  }
0x3f: {  	_ =	shalt  }
0x40: {  	_ =	shalt  }
0x41: {  	_ =	shalt  }
0x42: {  	_ =	shalt  }
0x43: {  	_ =	shalt  }
0x44: {  	_ =	shalt  }
0x45: {  	_ =	shalt  }
0x46: {  	_ =	shalt  }
0x47: {  	_ =	shalt  }
0x48: {  	_ =	shalt  }
0x49: {  	_ =	shalt  }
0x4a: {  	_ =	shalt  }
0x4b: {  	_ =	shalt  }
0x4c: {  	_ =	shalt  }
0x4d: {  	_ =	shalt  }
0x4e: {  	_ =	shalt  }
0x4f: {  	_ =	shalt  }
0x50: {  	_ =	shalt  }
0x51: {  	_ =	shalt  }
0x52: {  	_ =	shalt  }
0x53: {  	_ =	shalt  }
0x54: {  	_ =	shalt  }
0x55: {  	_ =	shalt  }
0x56: {  	_ =	shalt  }
0x57: {  	_ =	shalt  }
0x58: {  	_ =	shalt  }
0x59: {  	_ =	shalt  }
0x5a: {  	_ =	shalt  }
0x5b: {  	_ =	shalt  }
0x5c: {  	_ =	shalt  }
0x5d: {  	_ =	shalt  }
0x5e: {  	_ =	shalt  }
0x5f: {  	_ =	shalt  }
0x60: {  	_ =	shalt  }
0x61: {  	_ =	shalt  }
0x62: {  	_ =	shalt  }
0x63: {  	_ =	shalt  }
0x64: {  	_ =	shalt  }
0x65: {  	_ =	shalt  }
0x66: {  	_ =	shalt  }
0x67: {  	_ =	shalt  }
0x68: {  	_ =	shalt  }
0x69: {  	_ =	shalt  }
0x6a: {  	_ =	shalt  }
0x6b: {  	_ =	shalt  }
0x6c: {  	_ =	shalt  }
0x6d: {  	_ =	shalt  }
0x6e: {  	_ =	shalt  }
0x6f: {  	_ =	shalt  }
0x70: {  	_ =	shalt  }
0x71: {  	_ =	shalt  }
0x72: {  	_ =	shalt  }
0x73: {  	_ =	shalt  }
0x74: {  	_ =	shalt  }
0x75: {  	_ =	shalt  }
0x76: {  	_ =	shalt  }
0x77: {  	_ =	shalt  }
0x78: {  	_ =	shalt  }
0x79: {  	_ =	shalt  }
0x7a: {  	_ =	shalt  }
0x7b: {  	_ =	shalt  }
0x7c: {  	_ =	shalt  }
0x7d: {  	_ =	shalt  }
0x7e: {  	_ =	shalt  }
0x7f: {  	_ =	shalt  }
0x80: {  	_ =	shalt  }
0x81: {  	_ =	shalt  }
0x82: {  	_ =	shalt  }
0x83: {  	_ =	shalt  }
0x84: {  	_ =	shalt  }
0x85: {  	_ =	shalt  }
0x86: {  	_ =	shalt  }
0x87: {  	_ =	shalt  }
.Lfunc_end0:
.L_simem_size_0:
called_computation.1_lowered:
.L_overlay_start_0:
0x88: {  	s2 =	sld [smem:$0x3FD9]  }
0x89: {  	s3 =	sld [smem:$0x3FFE];
	_ =	sdelay $0x1  }
0x8a: {  	s1 =	srdreg.scid  }
0x8b: {  	s0 =	sand.u32 $0x1, s1  }
0x8c: {  	s17 =	sshll.u32 s0, $0xA;
	s2 =	sadd.s32 s3, s2  }
0x8d: {  	s2 =	sadd.s32 s2, s17  }
0x8e: {  	[smem:$0x3FBE] =	sst s2  }
0x8f: {  	_ = 	snop  }
0x90: {  	s2 =	sld [smem:$0x3FD0];
	(tm) =	ssettm $0x1  }
0x91: {  	s18 =	sld [smem:$0x3FFB];
	_ =	sdelay $0x3  }
0x92: {  	_ =	strace s18  }
0x93: {  	s3 =	sld [smem:$0x3FFC];
	_ =	sdelay $0x3  }
0x94: {  	_ =	strace s3  }
0x95: {  	s3 =	sld [smem:$0x3FFD];
	_ =	sdelay $0x3  }
0x96: {  	_ =	strace s3  }
0x97: {  	_ =	strace $0x8FFFFFFF  }
0x98: {  	s19 =	sld [smem:$0x3FDB];
	_ =	sdelay $0x1  }
0x99: {  	s4 =	simm.s32 $_scs_section_size  }
0x9a: {  	s5 =	simm.s32 $_size__tile_overlayer_lowered;
	s6 =	simm.s32 $_tile_overlayer_lowered  }
0x9b: {  	s22 =	simm.s32 $0x1BFF;
	s21 =	sshll.u32 s6, $0x1;
	s3 =	sadd.s32 s4, s19  }
0x9c: {  	s7 =	simm.s32 $0x0;
	s20 =	sshll.u32 s5, $0x1;
	s5 =	sadd.s32 s21, s3  }
0x9d: {  	[timem:s7], [sflag:s22] =	dma.local [hbm:s5], s20  }
0x9e: {  	_ =	swait.ge [sflag:s22], s20  }
0x9f: {  	s4 =	ssub.s32 $0x0, s20;
	[sflag:s22] =	ssyncset.done $0x0  }
0xa0: {  	[sflag:s22] =	ssyncadd.s32 s4;
	_ =	sdelay $0x1  }
0xa1: {  	s23 =	simm.s32 $0x1B8B  }
0xa2: {  	_ =	swait.ge [sflag:s23], $0x1  }
0xa3: {  	[sflag:s23] =	ssyncset.done $0x0  }
0xa4: {  	s25 =	simm.s32 $0x1B8E;
	s24 =	sld [smem:$0x3FFE];
	[sflag:s23] =	ssyncadd.s32 $0xFFFFFFFF  }
0xa5: {  	s26 =	simm.s32 $execute0_lowered;
	[smem:$0x3FD2] =	sst s25  }
0xa6: {  	s5 =	sshll.u32 s26, $0x1;
	_ =	strace $0x80000049;
	[dreg:$0x1] =	wrdreg $0xFFFFFFFF  }
0xa7: {  	s28 =	simm.s32 $_size_execute0_lowered;
	s3 =	sadd.s32 s3, s5;
	[dreg:$0x0] =	wrdreg $0x0  }
0xa8: {  	s5 =	sshll.u32 s28, $0x1;
	[dreg:$0x2] =	wrdreg s3  }
0xa9: {  	[dreg:$0x3] =	wrdreg s5  }
0xaa: {  	[dreg:$0x4] =	wrdreg $0xC0  }
0xab: {  	_ =	task [dreg:s7], $0x5FFFF  }
0xac: {  	[dreg:$0x1] =	wrdreg $0xFFFFFFFF  }
0xad: {  	[dreg:$0x0] =	wrdreg $0x60  }
0xae: {  	[dreg:$0x2] =	wrdreg s24  }
0xaf: {  	[dreg:$0x3] =	wrdreg s2  }
0xb0: {  	[dreg:$0x4] =	wrdreg $0x54000  }
0xb1: {  	[dreg:$0x5] =	wrdreg $0x9  }
0xb2: {  	_ =	task.clear_ibuf [dreg:s7], $0x6FFFF;
	_ =	strace $0x90000049  }
0xb3: {  	s29 =	simm.s32 $0x9;
	_ =	strace $0x8000004B  }
0xb4: {  	_ =	swait.ge [sflag:s29], $0x1  }
0xb5: {  	[sflag:s29] =	ssyncadd.s32 $0xFFFFFFFF  }
0xb6: {  	_ =	strace $0x9000004B  }
0xb7: {  	_ =	sfence  }
0xb8: {  	s30 =	sld [smem:$0x0];
	_ =	sdelay $0x2  }
0xb9: {  	s31 =	sshll.u32 s1, $0xD;
	s1 =	sshrl.u32 s1, $0x2  }
0xba: {  	s3 =	sand.u32 $0x4000, s31;
	s1 =	sadd.s32 s1, s30  }
0xbb: {  	s0 =	sor.u32 s3, s0;
	s1 =	sshll.u32 s1, $0x11  }
0xbc: {  	s0 =	sor.u32 s1, s0  }
0xbd: {  	s0 =	sadd.s32 $0x8F2B, s0  }
0xbe: {  	[sflag:s0] =	ssyncadd.remote.s32 $0x1  }
0xbf: {  	_ =	sfence.sel $0xFFFF  }
0xc0: {  	[dreg:$0x0] =	wrdreg $0xFFFFFFFF;
	(pc) =	sbr.abs _section_cstart, $3  }
0xc1: {  	[dreg:$0x1] =	wrdreg $0xFFFFFFFF  }
0xc2: {  	_ =	task.clear_ibuf [dreg:s7], $0x2FFFF;
	_ =	strace $0x9FFFFFFF  }
0xc3: {  	(tm) =	ssettm $0x7FFFFFFF  }
tec
execute0_lowered:
.L_overlay_start_1:
0x0: {  	(tag) =	ssettag $0x1  }
0x1: {  	s5 =	rddreg [dreg:$0x0]  }
0x2: {  	s1 =	srdreg.scid;
	s10 =	rddreg [dreg:$0x1]  }
0x3: {  	s0 =	stileid.u32;
	s2 =	rddreg [dreg:$0x2];
	s3 =	simm.s32 $0x0  }
0x4: {  	s13 =	simm.s32 $0x19000;
	s14 =	simm.s32 $0x1;
	s15 =	simm.s32 $0x5080  }
0x5: {  	s16 =	simm.s32 $0x0;
	s6 =	sand.u32 $0x1, s1;
	s9 =	smul.u32 $0x13C00, s0  }
0x6: {  	s26 =	sshll.u32 s0, $0x1;
	[smem:$0x7FF] =	sst s3;
	s11 =	smul.u32 $0x4F000, s0  }
0x7: {  	s4 =	sadd.s32 $0x22200, s5;
	s12 =	smul.u32 $0x2780, s0;
	s31 =	sshll.u32 s0, $0x6  }
0x8: {  	s1 =	sor.u32 s6, s26;
	s8 =	smul.u32 $0x13C000, s6;
	s28 =	ssub.s32 $0x2, s6  }
0x9: {  	p0 =	seq.s32 s6, $0x1;
	s7 =	smul.u32 $0xA80, s1;
	s1 =	rddreg [dreg:$0x3]  }
0xa: {  	_ =	strace $0x8000004A;
	s29 =	sshrl.u32 s28, $0x1;
	s30 =	sshrl.u32 s11, $0x2  }
0xb: {  	s6 =	sadd.s32 s4, s12;
	s12 =	simm.s32 $0x80;
	s8 =	sadd.s32 s9, s8  }
0xc: {  	s9 =	ssub.s32 s28, s29;
	s11 =	sadd.s32 s30, s2;
	s6 =	smov.u32 @p0 s10  }
0xd: {  	s10 =	sor.u32 $0x1C02, s31;
	s7 =	sadd.s32 s7, s5;
	s8 =	sshrl.u32 s8, $0x3  }
0xe: {  	s11 =	sshrl.u32 s11, $0x3;
	s8 =	sadd.s32 s8, s5;
	s5 =	sadd.s32 $0xD200, s7  }
0xf: {  	s7 =	sadd.s32 $0x4A200, s8;
	s8 =	smax.u32 s9, $0x1;
	s9 =	simm.s32 $0x2  }
.LBB2_1:
0x10: {  	[tilespmem:s3], [sflag:$0x2] =	stream.linear.gather [hbm4b:s5+s3], $0x5100, $0x38;
	[tilespmem:$0x1D000] =	vst v63  }
0x11: {  	_ =	swait.ge [sflag:s9], $0x5100  }
0x12: {  	[sflag:s9] =	ssyncset.done $0x0  }
0x13: {  	[sflag:s9] =	ssyncadd.s32 $0xFFFFAF00  }
0x14: {  	[spmem:s11], [sflag:s10] =	dma.local [hbm:s6], $0x2780  }
0x15: {  	_ =	swait.ge [sflag:s9], $0x2780  }
0x16: {  	[sflag:s9] =	ssyncset.done $0x0  }
0x17: {  	[sflag:s9] =	ssyncadd.s32 $0xFFFFD880  }
0x18: {  	[bflag:$0x0] =	sbarrier.arrive $0xFFFF  }
0x19: {  	[tilespmem:s13], [sflag:$0x1] =	stream.indirect.gather [hbm4b:s4+s12], $0x80, s3, s12, $0xb8;
	[tilespmem:$0x1D000] =	vst v63  }
0x1a: {  	_ =	swait.ge [sflag:s14], $0x4000  }
0x1b: {  	[sflag:s14] =	ssyncset.done $0x0  }
0x1c: {  	s17 =	simm.s32 $0x2880;
	[sflag:s14] =	ssyncadd.s32 $0xFFFFC000  }
0x1d: {  	[spmem:s2] =	stream.indirect.scatter.add.f32 [tilespmem:s13], [sflag:$0x2], $0x80, s17, s12, $0xb8;
	[tilespmem:$0x1D000] =	vst v63  }
0x1e: {  	_ =	swait.ge [sflag:s9], $0x4000  }
0x1f: {  	[sflag:s9] =	ssyncset.done $0x0  }
0x20: {  	s18 =	simm.s32 $0x80;
	s17 =	simm.s32 $0x400;
	[sflag:s9] =	ssyncadd.s32 $0xFFFFC000  }
.LBB2_2:
0x21: {  	[tilespmem:s13], [sflag:$0x1] =	stream.indirect.gather [hbm4b:s4+s12], $0x80, s18, s12, $0xb8;
	[tilespmem:$0x1D000] =	vst v63  }
0x22: {  	s18 =	smov.u32 s17  }
0x23: {  	p0 =	sne.s32 s17, $0xA000;
	s17 =	sadd.s32 $0x200, s17;
	_ =	swait.ge [sflag:s14], $0x4000  }
0x24: {  	s18 =	sshra.s32 s18, $0x2;
	[sflag:s14] =	ssyncset.done $0x0  }
.Ltmp0:
0x25: {  	s19 =	sadd.s32 $0x2800, s18;
	[sflag:s14] =	ssyncadd.s32 $0xFFFFC000;
	(pc) =	sbr.rel @p0 .LBB2_2-.Ltmp0, $4  }
0x26: {  	[spmem:s2] =	stream.indirect.scatter.add.f32 [tilespmem:s13], [sflag:$0x2], $0x80, s19, s12, $0xb8;
	[tilespmem:$0x1D000] =	vst v63  }
0x27: {  	_ =	swait.ge [sflag:s9], $0x4000  }
0x28: {  	[sflag:s9] =	ssyncset.done $0x0  }
0x29: {  	[sflag:s9] =	ssyncadd.s32 $0xFFFFC000  }
0x2a: {  	[tilespmem:s13], [sflag:$0x1] =	stream.indirect.gather [hbm4b:s4+s12], $0x80, s18, s12, $0xb8;
	[tilespmem:$0x1D000] =	vst v63  }
0x2b: {  	_ =	swait.ge [sflag:s14], $0x4000  }
0x2c: {  	[sflag:s14] =	ssyncset.done $0x0  }
0x2d: {  	[sflag:s14] =	ssyncadd.s32 $0xFFFFC000  }
0x2e: {  	[spmem:s2] =	stream.indirect.scatter.add.f32 [tilespmem:s13], [sflag:$0x2], $0x80, s15, s12, $0xb8;
	[tilespmem:$0x1D000] =	vst v63  }
0x2f: {  	_ =	swait.ge [sflag:s9], $0x4000  }
0x30: {  	[sflag:s9] =	ssyncset.done $0x0  }
0x31: {  	[sflag:s9] =	ssyncadd.s32 $0xFFFFC000  }
0x32: {  	[tilespmem:s13], [sflag:$0x1] =	stream.indirect.gather [hbm4b:s4+s12], $0x80, s3, s12, $0xb8;
	[tilespmem:$0x1D000] =	vst v63  }
0x33: {  	_ =	swait.ge [sflag:s14], $0x4000  }
0x34: {  	s16 =	sadd.s32 $0x1, s16;
	[sflag:s14] =	ssyncset.done $0x0  }
0x35: {  	p0 =	sne.s32 s16, s8;
	[sflag:s14] =	ssyncadd.s32 $0xFFFFC000  }
.Ltmp1:
0x36: {  	[bflag:$0x0] =	sbarrier.arrive $0xFFFF;
	(pc) =	sbr.rel @p0 .LBB2_1-.Ltmp1, $4  }
0x37: {  	[hbm:s7], [sflag:s10] =	dma.local [spmem:s11], $0x2780  }
0x38: {  	_ =	swait.ge [sflag:s9], $0x2780  }
0x39: {  	[sflag:s9] =	ssyncset.done $0x0  }
0x3a: {  	[sflag:s9] =	ssyncadd.s32 $0xFFFFD880  }
0x3b: {  	_ =	sfence.sel $0x180000  }
0x3c: {  	[bflag:$0x0] =	sbarrier.arrive $0xFFFF  }
0x3d: {  	p0 =	sne.s32 s0, $0x0;
	_ =	strace $0x9000004A  }
0x3e: {  	s0 =	sadd.s32 @!p0 $0x100000, s1;
	[bflag:$0x2] =	sbarrier.arrive $0xFFFF  }
0x3f: {  	[sflag:s0] =	ssyncadd.tile.s32 @!p0 $0x1;
	_ =	shalt  }
.Lfunc_end2:
_tile_overlayer_lowered:
.L_overlay_start_2:
0x40: {  	(tag) =	ssettag $0x2  }
0x41: {  	s0 =	rddreg [dreg:$0x0];
	s2 =	stileid.u32  }
0x42: {  	s1 =	rddreg [dreg:$0x1];
	p0 =	sne.s32 s2, $0x0  }
0x43: {  	s3 =	rddreg [dreg:$0x2];
	[bflag:$0x3] =	sbarrier.arrive $0xFFFF;
	s2 =	simm.s32 @!p0 $0x1C02  }
0x44: {  	[timem:s3], [sflag:s2] =	dma.local @!p0 [hbm:s0], s1  }
0x45: {  	s0 =	simm.s32 @!p0 $0x2  }
0x46: {  	_ =	swait.ge @!p0 [sflag:s0], s1  }
0x47: {  	s1 =	ssub.s32 @!p0 $0x0, s1;
	[sflag:s0] =	ssyncset.done @!p0 $0x0  }
0x48: {  	[sflag:s0] =	ssyncadd.s32 @!p0 s1  }
0x49: {  	[bflag:$0x3] =	sbarrier.arrive $0xFFFF  }
0x4a: {  	_ =	shalt  }

// kernel: kernel.17.cloned.1.call-start
scs
__scs_entry_jumppad:
0x0: {  	(pc) =	sbr.rel $0x88, $3  }
0x1: {  	(tag) =	ssettag $0x0;
	lr =	simm.s32 $0x1  }
0x2: {  	[smem:$0x3F97] =	sst lr;
	_ =	strace $0xD0000000  }
0x3: {  	_ = 	snop  }
0x4: {  	_ = 	snop  }
0x5: {  	_ = 	snop  }
0x6: {  	_ = 	snop  }
0x7: {  	_ = 	snop  }
__scs_overlays_trampoline_lowered:
0x8: {  	[smem:$0x3FA6] =	sst s0  }
0x9: {  	[smem:$0x3FA7] =	sst s1  }
0xa: {  	[smem:$0x3FA8] =	sst s2  }
0xb: {  	[smem:$0x3FA9] =	sst s3  }
0xc: {  	[smem:$0x3FAA] =	sst s4  }
0xd: {  	[smem:$0x3FAB] =	sst s5  }
0xe: {  	[smem:$0x3FAC] =	sst s6  }
0xf: {  	[smem:$0x3FAD] =	sst s7  }
0x10: {  	[smem:$0x3FAE] =	sst s8  }
0x11: {  	[smem:$0x3FAF] =	sst s9;
	s0 =	simm.s32 @!p0 $0x0  }
0x12: {  	s1 =	sld [smem:$0x3F95];
	s0 =	simm.s32 @p0 $0x1  }
0x13: {  	[smem:$0x3FB0] =	sst s0;
	s0 =	simm.s32 @!p1 $0x0  }
0x14: {  	s2 =	sld [smem:$0x3F94];
	s0 =	simm.s32 @p1 $0x1  }
0x15: {  	[smem:$0x3FB1] =	sst s0;
	s0 =	simm.s32 @!p2 $0x0  }
0x16: {  	s3 =	sld [smem:$0x3FDB];
	s0 =	simm.s32 @p2 $0x1  }
0x17: {  	s4 =	simm.s32 $0x1BF5;
	[smem:$0x3FB3] =	sst s0  }
0x18: {  	s0 =	sld [smem:$0x3F96];
	_ =	swait.ge [sflag:s4], $0x0  }
0x19: {  	s7 =	sld [smem:$0x3F97]  }
0x1a: {  	s8 =	sadd.s32 $0xFFFFE003, lr  }
0x1b: {  	s9 =	sadd.s32 $0xFFFFFEF7, lr;
	s5 =	simm.s32 $0xFFFFFFFF;
	p2 =	slt.u32 s8, $0xFFFFF086  }
0x1c: {  	p1 =	slt.u32 s9, $0xF7A;
	s5 =	simm.s32 @!p2 $0x0  }
0x1d: {  	s5 =	simm.s32 @p1 $0x1;
	p0 =	seq.s32 s7, s2  }
0x1e: {  	s7 =	smul.u32 @!p0 $0xF7A, s2;
	p2 =	seq.s32 @!p0 s5, $0x0  }
0x1f: {  	s9 =	smul.u32 $0xF7A, s1;
	s8 =	simm.s32 @!p0 $0x1BF5;
	p2 =	por !p2, p0  }
0x20: {  	[sflag:s8] =	ssyncset.s32 @!p0 $0xFFFFF086;
	s6 =	sadd.s32 @!p0 s3, s7;
	s7 =	simm.s32 @!p0 $0x108  }
0x21: {  	s3 =	sadd.s32 s3, s9;
	s6 =	sadd.s32 @!p0 $0x88, s6;
	s7 =	simm.s32 @p2 $0x1082  }
0x22: {  	[simem:s7], [sflag:s8] =	dma.local @!p0 [hbm:s6], $0xF7A  }
0x23: {  	s9 =	sor.u32 $0xD0000000, s2;
	s6 =	simm.s32 $0x108;
	_ =	swait.ge @!p0 [sflag:s8], $0x0  }
0x24: {  	s3 =	sadd.s32 $0x88, s3;
	s6 =	simm.s32 @!p1 $0x1082;
	[sflag:s4] =	ssyncset.s32 $0xFFFFF086  }
0x25: {  	[simem:s6], [sflag:s4] =	dma.local [hbm:s3], $0xF7A  }
0x26: {  	[smem:$0x3F97] =	sst s1;
	(tag) =	ssettag s2;
	_ =	strace s9  }
0x27: {  	s1 =	sld [smem:$0x3FA7]  }
0x28: {  	s2 =	sld [smem:$0x3FA8]  }
0x29: {  	s4 =	sld [smem:$0x3FAA]  }
0x2a: {  	p0 =	seq.s32 s5, $0x0;
	s5 =	sld [smem:$0x3FAB]  }
0x2b: {  	s6 =	sld [smem:$0x3FAC]  }
0x2c: {  	s7 =	sld [smem:$0x3FAD]  }
0x2d: {  	s3 =	simm.s32 $0x108;
	s8 =	sld [smem:$0x3FAE]  }
0x2e: {  	s3 =	simm.s32 @!p0 $0x1082;
	s9 =	sld [smem:$0x3FAF]  }
0x2f: {  	lr =	sadd.s32 s0, s3;
	s0 =	sld [smem:$0x3FA6]  }
0x30: {  	s3 =	sld [smem:$0x3FA9]  }
0x31: {  	[smem:$0x3FB2] =	sst s10  }
0x32: {  	s10 =	sld [smem:$0x3FB0];
	_ =	sdelay $0x3  }
0x33: {  	p0 =	seq.s32 s10, $0x1;
	s10 =	sld [smem:$0x3FB2];
	_ =	sdelay $0x3  }
0x34: {  	[smem:$0x3FB2] =	sst s10  }
0x35: {  	s10 =	sld [smem:$0x3FB1];
	_ =	sdelay $0x3  }
0x36: {  	p1 =	seq.s32 s10, $0x1;
	s10 =	sld [smem:$0x3FB2];
	_ =	sdelay $0x3  }
0x37: {  	[smem:$0x3FB2] =	sst s10  }
0x38: {  	s10 =	sld [smem:$0x3FB3]  }
0x39: {  	_ = 	snop;
	(pc) =	sbr.ind lr, $3  }
0x3a: {  	_ = 	snop  }
0x3b: {  	_ = 	snop  }
0x3c: {  	p2 =	seq.s32 s10, $0x1;
	s10 =	sld [smem:$0x3FB2]  }
0x3d: {  	_ =	shalt  }
0x3e: {  	_ =	shalt  }
0x3f: {  	_ =	shalt  }
0x40: {  	_ =	shalt  }
0x41: {  	_ =	shalt  }
0x42: {  	_ =	shalt  }
0x43: {  	_ =	shalt  }
0x44: {  	_ =	shalt  }
0x45: {  	_ =	shalt  }
0x46: {  	_ =	shalt  }
0x47: {  	_ =	shalt  }
0x48: {  	_ =	shalt  }
0x49: {  	_ =	shalt  }
0x4a: {  	_ =	shalt  }
0x4b: {  	_ =	shalt  }
0x4c: {  	_ =	shalt  }
0x4d: {  	_ =	shalt  }
0x4e: {  	_ =	shalt  }
0x4f: {  	_ =	shalt  }
0x50: {  	_ =	shalt  }
0x51: {  	_ =	shalt  }
0x52: {  	_ =	shalt  }
0x53: {  	_ =	shalt  }
0x54: {  	_ =	shalt  }
0x55: {  	_ =	shalt  }
0x56: {  	_ =	shalt  }
0x57: {  	_ =	shalt  }
0x58: {  	_ =	shalt  }
0x59: {  	_ =	shalt  }
0x5a: {  	_ =	shalt  }
0x5b: {  	_ =	shalt  }
0x5c: {  	_ =	shalt  }
0x5d: {  	_ =	shalt  }
0x5e: {  	_ =	shalt  }
0x5f: {  	_ =	shalt  }
0x60: {  	_ =	shalt  }
0x61: {  	_ =	shalt  }
0x62: {  	_ =	shalt  }
0x63: {  	_ =	shalt  }
0x64: {  	_ =	shalt  }
0x65: {  	_ =	shalt  }
0x66: {  	_ =	shalt  }
0x67: {  	_ =	shalt  }
0x68: {  	_ =	shalt  }
0x69: {  	_ =	shalt  }
0x6a: {  	_ =	shalt  }
0x6b: {  	_ =	shalt  }
0x6c: {  	_ =	shalt  }
0x6d: {  	_ =	shalt  }
0x6e: {  	_ =	shalt  }
0x6f: {  	_ =	shalt  }
0x70: {  	_ =	shalt  }
0x71: {  	_ =	shalt  }
0x72: {  	_ =	shalt  }
0x73: {  	_ =	shalt  }
0x74: {  	_ =	shalt  }
0x75: {  	_ =	shalt  }
0x76: {  	_ =	shalt  }
0x77: {  	_ =	shalt  }
0x78: {  	_ =	shalt  }
0x79: {  	_ =	shalt  }
0x7a: {  	_ =	shalt  }
0x7b: {  	_ =	shalt  }
0x7c: {  	_ =	shalt  }
0x7d: {  	_ =	shalt  }
0x7e: {  	_ =	shalt  }
0x7f: {  	_ =	shalt  }
0x80: {  	_ =	shalt  }
0x81: {  	_ =	shalt  }
0x82: {  	_ =	shalt  }
0x83: {  	_ =	shalt  }
0x84: {  	_ =	shalt  }
0x85: {  	_ =	shalt  }
0x86: {  	_ =	shalt  }
0x87: {  	_ =	shalt  }
.Lfunc_end0:
.L_simem_size_0:
called_computation.2_lowered:
.L_overlay_start_0:
0x88: {  	s2 =	sld [smem:$0x3FD9]  }
0x89: {  	s3 =	sld [smem:$0x3FFE];
	_ =	sdelay $0x1  }
0x8a: {  	s1 =	srdreg.scid  }
0x8b: {  	s0 =	sand.u32 $0x1, s1  }
0x8c: {  	s17 =	sshll.u32 s0, $0xA;
	s2 =	sadd.s32 s3, s2  }
0x8d: {  	s2 =	sadd.s32 s2, s17  }
0x8e: {  	[smem:$0x3FBE] =	sst s2  }
0x8f: {  	_ = 	snop  }
0x90: {  	s2 =	sld [smem:$0x3FD0];
	(tm) =	ssettm $0x1  }
0x91: {  	s18 =	sld [smem:$0x3FFB];
	_ =	sdelay $0x3  }
0x92: {  	_ =	strace s18  }
0x93: {  	s3 =	sld [smem:$0x3FFC];
	_ =	sdelay $0x3  }
0x94: {  	_ =	strace s3  }
0x95: {  	s3 =	sld [smem:$0x3FFD];
	_ =	sdelay $0x3  }
0x96: {  	_ =	strace s3  }
0x97: {  	_ =	strace $0x8FFFFFFF  }
0x98: {  	s19 =	sld [smem:$0x3FDB];
	_ =	sdelay $0x1  }
0x99: {  	s4 =	simm.s32 $_scs_section_size  }
0x9a: {  	s5 =	simm.s32 $_size__tile_overlayer_lowered;
	s6 =	simm.s32 $_tile_overlayer_lowered  }
0x9b: {  	s22 =	simm.s32 $0x1BFF;
	s21 =	sshll.u32 s6, $0x1;
	s3 =	sadd.s32 s4, s19  }
0x9c: {  	s7 =	simm.s32 $0x0;
	s20 =	sshll.u32 s5, $0x1;
	s5 =	sadd.s32 s21, s3  }
0x9d: {  	[timem:s7], [sflag:s22] =	dma.local [hbm:s5], s20  }
0x9e: {  	_ =	swait.ge [sflag:s22], s20  }
0x9f: {  	s4 =	ssub.s32 $0x0, s20;
	[sflag:s22] =	ssyncset.done $0x0  }
0xa0: {  	[sflag:s22] =	ssyncadd.s32 s4;
	_ =	sdelay $0x1  }
0xa1: {  	s23 =	simm.s32 $0x1B8B  }
0xa2: {  	_ =	swait.ge [sflag:s23], $0x1  }
0xa3: {  	[sflag:s23] =	ssyncset.done $0x0  }
0xa4: {  	s25 =	simm.s32 $0x1B8E;
	s24 =	sld [smem:$0x3FFE];
	[sflag:s23] =	ssyncadd.s32 $0xFFFFFFFF  }
0xa5: {  	s26 =	simm.s32 $execute0_lowered;
	[smem:$0x3FD2] =	sst s25  }
0xa6: {  	s5 =	sshll.u32 s26, $0x1;
	_ =	strace $0x8000004C;
	[dreg:$0x1] =	wrdreg $0xFFFFFFFF  }
0xa7: {  	s28 =	simm.s32 $_size_execute0_lowered;
	s3 =	sadd.s32 s3, s5;
	[dreg:$0x0] =	wrdreg $0x0  }
0xa8: {  	s5 =	sshll.u32 s28, $0x1;
	[dreg:$0x2] =	wrdreg s3  }
0xa9: {  	[dreg:$0x3] =	wrdreg s5  }
0xaa: {  	[dreg:$0x4] =	wrdreg $0xC0  }
0xab: {  	_ =	task [dreg:s7], $0x5FFFF  }
0xac: {  	[dreg:$0x1] =	wrdreg $0xFFFFFFFF  }
0xad: {  	[dreg:$0x0] =	wrdreg $0x60  }
0xae: {  	[dreg:$0x2] =	wrdreg s24  }
0xaf: {  	[dreg:$0x3] =	wrdreg s2  }
0xb0: {  	[dreg:$0x4] =	wrdreg $0x54000  }
0xb1: {  	[dreg:$0x5] =	wrdreg $0x9  }
0xb2: {  	_ =	task.clear_ibuf [dreg:s7], $0x6FFFF;
	_ =	strace $0x9000004C  }
0xb3: {  	s29 =	simm.s32 $0x9;
	_ =	strace $0x8000004E  }
0xb4: {  	_ =	swait.ge [sflag:s29], $0x1  }
0xb5: {  	[sflag:s29] =	ssyncadd.s32 $0xFFFFFFFF  }
0xb6: {  	_ =	strace $0x9000004E  }
0xb7: {  	_ =	sfence  }
0xb8: {  	s30 =	sld [smem:$0x0];
	_ =	sdelay $0x2  }
0xb9: {  	s31 =	sshll.u32 s1, $0xD;
	s1 =	sshrl.u32 s1, $0x2  }
0xba: {  	s3 =	sand.u32 $0x4000, s31;
	s1 =	sadd.s32 s1, s30  }
0xbb: {  	s0 =	sor.u32 s3, s0;
	s1 =	sshll.u32 s1, $0x11  }
0xbc: {  	s0 =	sor.u32 s1, s0  }
0xbd: {  	s0 =	sadd.s32 $0x8F2B, s0  }
0xbe: {  	[sflag:s0] =	ssyncadd.remote.s32 $0x1  }
0xbf: {  	_ =	sfence.sel $0xFFFF  }
0xc0: {  	[dreg:$0x0] =	wrdreg $0xFFFFFFFF;
	(pc) =	sbr.abs _section_cstart, $3  }
0xc1: {  	[dreg:$0x1] =	wrdreg $0xFFFFFFFF  }
0xc2: {  	_ =	task.clear_ibuf [dreg:s7], $0x2FFFF;
	_ =	strace $0x9FFFFFFF  }
0xc3: {  	(tm) =	ssettm $0x7FFFFFFF  }
tec
execute0_lowered:
.L_overlay_start_1:
0x0: {  	(tag) =	ssettag $0x1  }
0x1: {  	s5 =	rddreg [dreg:$0x0]  }
0x2: {  	s1 =	srdreg.scid;
	s10 =	rddreg [dreg:$0x1]  }
0x3: {  	s0 =	stileid.u32;
	s2 =	rddreg [dreg:$0x2];
	s3 =	simm.s32 $0x0  }
0x4: {  	s13 =	simm.s32 $0x19000;
	s14 =	simm.s32 $0x1;
	s15 =	simm.s32 $0x5080  }
0x5: {  	s16 =	simm.s32 $0x0;
	s6 =	sand.u32 $0x1, s1;
	s9 =	smul.u32 $0x13C00, s0  }
0x6: {  	s26 =	sshll.u32 s0, $0x1;
	[smem:$0x7FF] =	sst s3;
	s11 =	smul.u32 $0x4F000, s0  }
0x7: {  	s4 =	sadd.s32 $0x22200, s5;
	s12 =	smul.u32 $0x2780, s0;
	s31 =	sshll.u32 s0, $0x6  }
0x8: {  	s1 =	sor.u32 s6, s26;
	s8 =	smul.u32 $0x13C000, s6;
	s28 =	ssub.s32 $0x2, s6  }
0x9: {  	p0 =	seq.s32 s6, $0x1;
	s7 =	smul.u32 $0xA80, s1;
	s1 =	rddreg [dreg:$0x3]  }
0xa: {  	_ =	strace $0x8000004D;
	s29 =	sshrl.u32 s28, $0x1;
	s30 =	sshrl.u32 s11, $0x2  }
0xb: {  	s6 =	sadd.s32 s4, s12;
	s12 =	simm.s32 $0x80;
	s8 =	sadd.s32 s9, s8  }
0xc: {  	s9 =	ssub.s32 s28, s29;
	s11 =	sadd.s32 s30, s2;
	s6 =	smov.u32 @p0 s10  }
0xd: {  	s10 =	sor.u32 $0x1C02, s31;
	s7 =	sadd.s32 s7, s5;
	s8 =	sshrl.u32 s8, $0x3  }
0xe: {  	s11 =	sshrl.u32 s11, $0x3;
	s8 =	sadd.s32 s8, s5;
	s5 =	sadd.s32 $0xD200, s7  }
0xf: {  	s7 =	sadd.s32 $0x4A200, s8;
	s8 =	smax.u32 s9, $0x1;
	s9 =	simm.s32 $0x2  }
.LBB2_1:
0x10: {  	[tilespmem:s3], [sflag:$0x2] =	stream.linear.gather [hbm4b:s5+s3], $0x5100, $0x38;
	[tilespmem:$0x1D000] =	vst v63  }
0x11: {  	_ =	swait.ge [sflag:s9], $0x5100  }
0x12: {  	[sflag:s9] =	ssyncset.done $0x0  }
0x13: {  	[sflag:s9] =	ssyncadd.s32 $0xFFFFAF00  }
0x14: {  	[spmem:s11], [sflag:s10] =	dma.local [hbm:s6], $0x2780  }
0x15: {  	_ =	swait.ge [sflag:s9], $0x2780  }
0x16: {  	[sflag:s9] =	ssyncset.done $0x0  }
0x17: {  	[sflag:s9] =	ssyncadd.s32 $0xFFFFD880  }
0x18: {  	[bflag:$0x0] =	sbarrier.arrive $0xFFFF  }
0x19: {  	[tilespmem:s13], [sflag:$0x1] =	stream.indirect.gather [hbm4b:s4+s12], $0x80, s3, s12, $0xb8;
	[tilespmem:$0x1D000] =	vst v63  }
0x1a: {  	_ =	swait.ge [sflag:s14], $0x4000  }
0x1b: {  	[sflag:s14] =	ssyncset.done $0x0  }
0x1c: {  	s17 =	simm.s32 $0x2880;
	[sflag:s14] =	ssyncadd.s32 $0xFFFFC000  }
0x1d: {  	[spmem:s2] =	stream.indirect.scatter.add.f32 [tilespmem:s13], [sflag:$0x2], $0x80, s17, s12, $0xb8;
	[tilespmem:$0x1D000] =	vst v63  }
0x1e: {  	_ =	swait.ge [sflag:s9], $0x4000  }
0x1f: {  	[sflag:s9] =	ssyncset.done $0x0  }
0x20: {  	s18 =	simm.s32 $0x80;
	s17 =	simm.s32 $0x400;
	[sflag:s9] =	ssyncadd.s32 $0xFFFFC000  }
.LBB2_2:
0x21: {  	[tilespmem:s13], [sflag:$0x1] =	stream.indirect.gather [hbm4b:s4+s12], $0x80, s18, s12, $0xb8;
	[tilespmem:$0x1D000] =	vst v63  }
0x22: {  	s18 =	smov.u32 s17  }
0x23: {  	p0 =	sne.s32 s17, $0xA000;
	s17 =	sadd.s32 $0x200, s17;
	_ =	swait.ge [sflag:s14], $0x4000  }
0x24: {  	s18 =	sshra.s32 s18, $0x2;
	[sflag:s14] =	ssyncset.done $0x0  }
.Ltmp0:
0x25: {  	s19 =	sadd.s32 $0x2800, s18;
	[sflag:s14] =	ssyncadd.s32 $0xFFFFC000;
	(pc) =	sbr.rel @p0 .LBB2_2-.Ltmp0, $4  }
0x26: {  	[spmem:s2] =	stream.indirect.scatter.add.f32 [tilespmem:s13], [sflag:$0x2], $0x80, s19, s12, $0xb8;
	[tilespmem:$0x1D000] =	vst v63  }
0x27: {  	_ =	swait.ge [sflag:s9], $0x4000  }
0x28: {  	[sflag:s9] =	ssyncset.done $0x0  }
0x29: {  	[sflag:s9] =	ssyncadd.s32 $0xFFFFC000  }
0x2a: {  	[tilespmem:s13], [sflag:$0x1] =	stream.indirect.gather [hbm4b:s4+s12], $0x80, s18, s12, $0xb8;
	[tilespmem:$0x1D000] =	vst v63  }
0x2b: {  	_ =	swait.ge [sflag:s14], $0x4000  }
0x2c: {  	[sflag:s14] =	ssyncset.done $0x0  }
0x2d: {  	[sflag:s14] =	ssyncadd.s32 $0xFFFFC000  }
0x2e: {  	[spmem:s2] =	stream.indirect.scatter.add.f32 [tilespmem:s13], [sflag:$0x2], $0x80, s15, s12, $0xb8;
	[tilespmem:$0x1D000] =	vst v63  }
0x2f: {  	_ =	swait.ge [sflag:s9], $0x4000  }
0x30: {  	[sflag:s9] =	ssyncset.done $0x0  }
0x31: {  	[sflag:s9] =	ssyncadd.s32 $0xFFFFC000  }
0x32: {  	[tilespmem:s13], [sflag:$0x1] =	stream.indirect.gather [hbm4b:s4+s12], $0x80, s3, s12, $0xb8;
	[tilespmem:$0x1D000] =	vst v63  }
0x33: {  	_ =	swait.ge [sflag:s14], $0x4000  }
0x34: {  	s16 =	sadd.s32 $0x1, s16;
	[sflag:s14] =	ssyncset.done $0x0  }
0x35: {  	p0 =	sne.s32 s16, s8;
	[sflag:s14] =	ssyncadd.s32 $0xFFFFC000  }
.Ltmp1:
0x36: {  	[bflag:$0x0] =	sbarrier.arrive $0xFFFF;
	(pc) =	sbr.rel @p0 .LBB2_1-.Ltmp1, $4  }
0x37: {  	[hbm:s7], [sflag:s10] =	dma.local [spmem:s11], $0x2780  }
0x38: {  	_ =	swait.ge [sflag:s9], $0x2780  }
0x39: {  	[sflag:s9] =	ssyncset.done $0x0  }
0x3a: {  	[sflag:s9] =	ssyncadd.s32 $0xFFFFD880  }
0x3b: {  	_ =	sfence.sel $0x180000  }
0x3c: {  	[bflag:$0x0] =	sbarrier.arrive $0xFFFF  }
0x3d: {  	p0 =	sne.s32 s0, $0x0;
	_ =	strace $0x9000004D  }
0x3e: {  	s0 =	sadd.s32 @!p0 $0x100000, s1;
	[bflag:$0x2] =	sbarrier.arrive $0xFFFF  }
0x3f: {  	[sflag:s0] =	ssyncadd.tile.s32 @!p0 $0x1;
	_ =	shalt  }
.Lfunc_end2:
_tile_overlayer_lowered:
.L_overlay_start_2:
0x40: {  	(tag) =	ssettag $0x2  }
0x41: {  	s0 =	rddreg [dreg:$0x0];
	s2 =	stileid.u32  }
0x42: {  	s1 =	rddreg [dreg:$0x1];
	p0 =	sne.s32 s2, $0x0  }
0x43: {  	s3 =	rddreg [dreg:$0x2];
	[bflag:$0x3] =	sbarrier.arrive $0xFFFF;
	s2 =	simm.s32 @!p0 $0x1C02  }
0x44: {  	[timem:s3], [sflag:s2] =	dma.local @!p0 [hbm:s0], s1  }
0x45: {  	s0 =	simm.s32 @!p0 $0x2  }
0x46: {  	_ =	swait.ge @!p0 [sflag:s0], s1  }
0x47: {  	s1 =	ssub.s32 @!p0 $0x0, s1;
	[sflag:s0] =	ssyncset.done @!p0 $0x0  }
0x48: {  	[sflag:s0] =	ssyncadd.s32 @!p0 s1  }
0x49: {  	[bflag:$0x3] =	sbarrier.arrive $0xFFFF  }
0x4a: {  	_ =	shalt  }

// kernel: kernel.20.cloned.1.call-start
scs
__scs_entry_jumppad:
0x0: {  	(pc) =	sbr.rel $0x88, $3  }
0x1: {  	(tag) =	ssettag $0x0;
	lr =	simm.s32 $0x1  }
0x2: {  	[smem:$0x3F97] =	sst lr;
	_ =	strace $0xD0000000  }
0x3: {  	_ = 	snop  }
0x4: {  	_ = 	snop  }
0x5: {  	_ = 	snop  }
0x6: {  	_ = 	snop  }
0x7: {  	_ = 	snop  }
__scs_overlays_trampoline_lowered:
0x8: {  	[smem:$0x3FA6] =	sst s0  }
0x9: {  	[smem:$0x3FA7] =	sst s1  }
0xa: {  	[smem:$0x3FA8] =	sst s2  }
0xb: {  	[smem:$0x3FA9] =	sst s3  }
0xc: {  	[smem:$0x3FAA] =	sst s4  }
0xd: {  	[smem:$0x3FAB] =	sst s5  }
0xe: {  	[smem:$0x3FAC] =	sst s6  }
0xf: {  	[smem:$0x3FAD] =	sst s7  }
0x10: {  	[smem:$0x3FAE] =	sst s8  }
0x11: {  	[smem:$0x3FAF] =	sst s9;
	s0 =	simm.s32 @!p0 $0x0  }
0x12: {  	s1 =	sld [smem:$0x3F95];
	s0 =	simm.s32 @p0 $0x1  }
0x13: {  	[smem:$0x3FB0] =	sst s0;
	s0 =	simm.s32 @!p1 $0x0  }
0x14: {  	s2 =	sld [smem:$0x3F94];
	s0 =	simm.s32 @p1 $0x1  }
0x15: {  	[smem:$0x3FB1] =	sst s0;
	s0 =	simm.s32 @!p2 $0x0  }
0x16: {  	s3 =	sld [smem:$0x3FDB];
	s0 =	simm.s32 @p2 $0x1  }
0x17: {  	s4 =	simm.s32 $0x1BF5;
	[smem:$0x3FB3] =	sst s0  }
0x18: {  	s0 =	sld [smem:$0x3F96];
	_ =	swait.ge [sflag:s4], $0x0  }
0x19: {  	s7 =	sld [smem:$0x3F97]  }
0x1a: {  	s8 =	sadd.s32 $0xFFFFE003, lr  }
0x1b: {  	s9 =	sadd.s32 $0xFFFFFEF7, lr;
	s5 =	simm.s32 $0xFFFFFFFF;
	p2 =	slt.u32 s8, $0xFFFFF086  }
0x1c: {  	p1 =	slt.u32 s9, $0xF7A;
	s5 =	simm.s32 @!p2 $0x0  }
0x1d: {  	s5 =	simm.s32 @p1 $0x1;
	p0 =	seq.s32 s7, s2  }
0x1e: {  	s7 =	smul.u32 @!p0 $0xF7A, s2;
	p2 =	seq.s32 @!p0 s5, $0x0  }
0x1f: {  	s9 =	smul.u32 $0xF7A, s1;
	s8 =	simm.s32 @!p0 $0x1BF5;
	p2 =	por !p2, p0  }
0x20: {  	[sflag:s8] =	ssyncset.s32 @!p0 $0xFFFFF086;
	s6 =	sadd.s32 @!p0 s3, s7;
	s7 =	simm.s32 @!p0 $0x108  }
0x21: {  	s3 =	sadd.s32 s3, s9;
	s6 =	sadd.s32 @!p0 $0x88, s6;
	s7 =	simm.s32 @p2 $0x1082  }
0x22: {  	[simem:s7], [sflag:s8] =	dma.local @!p0 [hbm:s6], $0xF7A  }
0x23: {  	s9 =	sor.u32 $0xD0000000, s2;
	s6 =	simm.s32 $0x108;
	_ =	swait.ge @!p0 [sflag:s8], $0x0  }
0x24: {  	s3 =	sadd.s32 $0x88, s3;
	s6 =	simm.s32 @!p1 $0x1082;
	[sflag:s4] =	ssyncset.s32 $0xFFFFF086  }
0x25: {  	[simem:s6], [sflag:s4] =	dma.local [hbm:s3], $0xF7A  }
0x26: {  	[smem:$0x3F97] =	sst s1;
	(tag) =	ssettag s2;
	_ =	strace s9  }
0x27: {  	s1 =	sld [smem:$0x3FA7]  }
0x28: {  	s2 =	sld [smem:$0x3FA8]  }
0x29: {  	s4 =	sld [smem:$0x3FAA]  }
0x2a: {  	p0 =	seq.s32 s5, $0x0;
	s5 =	sld [smem:$0x3FAB]  }
0x2b: {  	s6 =	sld [smem:$0x3FAC]  }
0x2c: {  	s7 =	sld [smem:$0x3FAD]  }
0x2d: {  	s3 =	simm.s32 $0x108;
	s8 =	sld [smem:$0x3FAE]  }
0x2e: {  	s3 =	simm.s32 @!p0 $0x1082;
	s9 =	sld [smem:$0x3FAF]  }
0x2f: {  	lr =	sadd.s32 s0, s3;
	s0 =	sld [smem:$0x3FA6]  }
0x30: {  	s3 =	sld [smem:$0x3FA9]  }
0x31: {  	[smem:$0x3FB2] =	sst s10  }
0x32: {  	s10 =	sld [smem:$0x3FB0];
	_ =	sdelay $0x3  }
0x33: {  	p0 =	seq.s32 s10, $0x1;
	s10 =	sld [smem:$0x3FB2];
	_ =	sdelay $0x3  }
0x34: {  	[smem:$0x3FB2] =	sst s10  }
0x35: {  	s10 =	sld [smem:$0x3FB1];
	_ =	sdelay $0x3  }
0x36: {  	p1 =	seq.s32 s10, $0x1;
	s10 =	sld [smem:$0x3FB2];
	_ =	sdelay $0x3  }
0x37: {  	[smem:$0x3FB2] =	sst s10  }
0x38: {  	s10 =	sld [smem:$0x3FB3]  }
0x39: {  	_ = 	snop;
	(pc) =	sbr.ind lr, $3  }
0x3a: {  	_ = 	snop  }
0x3b: {  	_ = 	snop  }
0x3c: {  	p2 =	seq.s32 s10, $0x1;
	s10 =	sld [smem:$0x3FB2]  }
0x3d: {  	_ =	shalt  }
0x3e: {  	_ =	shalt  }
0x3f: {  	_ =	shalt  }
0x40: {  	_ =	shalt  }
0x41: {  	_ =	shalt  }
0x42: {  	_ =	shalt  }
0x43: {  	_ =	shalt  }
0x44: {  	_ =	shalt  }
0x45: {  	_ =	shalt  }
0x46: {  	_ =	shalt  }
0x47: {  	_ =	shalt  }
0x48: {  	_ =	shalt  }
0x49: {  	_ =	shalt  }
0x4a: {  	_ =	shalt  }
0x4b: {  	_ =	shalt  }
0x4c: {  	_ =	shalt  }
0x4d: {  	_ =	shalt  }
0x4e: {  	_ =	shalt  }
0x4f: {  	_ =	shalt  }
0x50: {  	_ =	shalt  }
0x51: {  	_ =	shalt  }
0x52: {  	_ =	shalt  }
0x53: {  	_ =	shalt  }
0x54: {  	_ =	shalt  }
0x55: {  	_ =	shalt  }
0x56: {  	_ =	shalt  }
0x57: {  	_ =	shalt  }
0x58: {  	_ =	shalt  }
0x59: {  	_ =	shalt  }
0x5a: {  	_ =	shalt  }
0x5b: {  	_ =	shalt  }
0x5c: {  	_ =	shalt  }
0x5d: {  	_ =	shalt  }
0x5e: {  	_ =	shalt  }
0x5f: {  	_ =	shalt  }
0x60: {  	_ =	shalt  }
0x61: {  	_ =	shalt  }
0x62: {  	_ =	shalt  }
0x63: {  	_ =	shalt  }
0x64: {  	_ =	shalt  }
0x65: {  	_ =	shalt  }
0x66: {  	_ =	shalt  }
0x67: {  	_ =	shalt  }
0x68: {  	_ =	shalt  }
0x69: {  	_ =	shalt  }
0x6a: {  	_ =	shalt  }
0x6b: {  	_ =	shalt  }
0x6c: {  	_ =	shalt  }
0x6d: {  	_ =	shalt  }
0x6e: {  	_ =	shalt  }
0x6f: {  	_ =	shalt  }
0x70: {  	_ =	shalt  }
0x71: {  	_ =	shalt  }
0x72: {  	_ =	shalt  }
0x73: {  	_ =	shalt  }
0x74: {  	_ =	shalt  }
0x75: {  	_ =	shalt  }
0x76: {  	_ =	shalt  }
0x77: {  	_ =	shalt  }
0x78: {  	_ =	shalt  }
0x79: {  	_ =	shalt  }
0x7a: {  	_ =	shalt  }
0x7b: {  	_ =	shalt  }
0x7c: {  	_ =	shalt  }
0x7d: {  	_ =	shalt  }
0x7e: {  	_ =	shalt  }
0x7f: {  	_ =	shalt  }
0x80: {  	_ =	shalt  }
0x81: {  	_ =	shalt  }
0x82: {  	_ =	shalt  }
0x83: {  	_ =	shalt  }
0x84: {  	_ =	shalt  }
0x85: {  	_ =	shalt  }
0x86: {  	_ =	shalt  }
0x87: {  	_ =	shalt  }
.Lfunc_end0:
.L_simem_size_0:
called_computation.3_lowered:
.L_overlay_start_0:
0x88: {  	s2 =	sld [smem:$0x3FD9]  }
0x89: {  	s3 =	sld [smem:$0x3FFE];
	_ =	sdelay $0x1  }
0x8a: {  	s1 =	srdreg.scid  }
0x8b: {  	s0 =	sand.u32 $0x1, s1  }
0x8c: {  	s17 =	sshll.u32 s0, $0xA;
	s2 =	sadd.s32 s3, s2  }
0x8d: {  	s2 =	sadd.s32 s2, s17  }
0x8e: {  	[smem:$0x3FBE] =	sst s2  }
0x8f: {  	_ = 	snop  }
0x90: {  	s2 =	sld [smem:$0x3FD0];
	(tm) =	ssettm $0x1  }
0x91: {  	s18 =	sld [smem:$0x3FFB];
	_ =	sdelay $0x3  }
0x92: {  	_ =	strace s18  }
0x93: {  	s3 =	sld [smem:$0x3FFC];
	_ =	sdelay $0x3  }
0x94: {  	_ =	strace s3  }
0x95: {  	s3 =	sld [smem:$0x3FFD];
	_ =	sdelay $0x3  }
0x96: {  	_ =	strace s3  }
0x97: {  	_ =	strace $0x8FFFFFFF  }
0x98: {  	s19 =	sld [smem:$0x3FDB];
	_ =	sdelay $0x1  }
0x99: {  	s4 =	simm.s32 $_scs_section_size  }
0x9a: {  	s5 =	simm.s32 $_size__tile_overlayer_lowered;
	s6 =	simm.s32 $_tile_overlayer_lowered  }
0x9b: {  	s22 =	simm.s32 $0x1BFF;
	s21 =	sshll.u32 s6, $0x1;
	s3 =	sadd.s32 s4, s19  }
0x9c: {  	s7 =	simm.s32 $0x0;
	s20 =	sshll.u32 s5, $0x1;
	s5 =	sadd.s32 s21, s3  }
0x9d: {  	[timem:s7], [sflag:s22] =	dma.local [hbm:s5], s20  }
0x9e: {  	_ =	swait.ge [sflag:s22], s20  }
0x9f: {  	s4 =	ssub.s32 $0x0, s20;
	[sflag:s22] =	ssyncset.done $0x0  }
0xa0: {  	[sflag:s22] =	ssyncadd.s32 s4;
	_ =	sdelay $0x1  }
0xa1: {  	s23 =	simm.s32 $0x1B8B  }
0xa2: {  	_ =	swait.ge [sflag:s23], $0x1  }
0xa3: {  	[sflag:s23] =	ssyncset.done $0x0  }
0xa4: {  	s25 =	simm.s32 $0x1B8E;
	s24 =	sld [smem:$0x3FFE];
	[sflag:s23] =	ssyncadd.s32 $0xFFFFFFFF  }
0xa5: {  	s26 =	simm.s32 $execute0_lowered;
	[smem:$0x3FD2] =	sst s25  }
0xa6: {  	s5 =	sshll.u32 s26, $0x1;
	_ =	strace $0x8000004F;
	[dreg:$0x1] =	wrdreg $0xFFFFFFFF  }
0xa7: {  	s28 =	simm.s32 $_size_execute0_lowered;
	s3 =	sadd.s32 s3, s5;
	[dreg:$0x0] =	wrdreg $0x0  }
0xa8: {  	s5 =	sshll.u32 s28, $0x1;
	[dreg:$0x2] =	wrdreg s3  }
0xa9: {  	[dreg:$0x3] =	wrdreg s5  }
0xaa: {  	[dreg:$0x4] =	wrdreg $0xC0  }
0xab: {  	_ =	task [dreg:s7], $0x5FFFF  }
0xac: {  	[dreg:$0x1] =	wrdreg $0xFFFFFFFF  }
0xad: {  	[dreg:$0x0] =	wrdreg $0x60  }
0xae: {  	[dreg:$0x2] =	wrdreg s24  }
0xaf: {  	[dreg:$0x3] =	wrdreg s2  }
0xb0: {  	[dreg:$0x4] =	wrdreg $0x54000  }
0xb1: {  	[dreg:$0x5] =	wrdreg $0x9  }
0xb2: {  	_ =	task.clear_ibuf [dreg:s7], $0x6FFFF;
	_ =	strace $0x9000004F  }
0xb3: {  	s29 =	simm.s32 $0x9;
	_ =	strace $0x80000051  }
0xb4: {  	_ =	swait.ge [sflag:s29], $0x1  }
0xb5: {  	[sflag:s29] =	ssyncadd.s32 $0xFFFFFFFF  }
0xb6: {  	_ =	strace $0x90000051  }
0xb7: {  	_ =	sfence  }
0xb8: {  	s30 =	sld [smem:$0x0];
	_ =	sdelay $0x2  }
0xb9: {  	s31 =	sshll.u32 s1, $0xD;
	s1 =	sshrl.u32 s1, $0x2  }
0xba: {  	s3 =	sand.u32 $0x4000, s31;
	s1 =	sadd.s32 s1, s30  }
0xbb: {  	s0 =	sor.u32 s3, s0;
	s1 =	sshll.u32 s1, $0x11  }
0xbc: {  	s0 =	sor.u32 s1, s0  }
0xbd: {  	s0 =	sadd.s32 $0x8F2B, s0  }
0xbe: {  	[sflag:s0] =	ssyncadd.remote.s32 $0x1  }
0xbf: {  	_ =	sfence.sel $0xFFFF  }
0xc0: {  	[dreg:$0x0] =	wrdreg $0xFFFFFFFF;
	(pc) =	sbr.abs _section_cstart, $3  }
0xc1: {  	[dreg:$0x1] =	wrdreg $0xFFFFFFFF  }
0xc2: {  	_ =	task.clear_ibuf [dreg:s7], $0x2FFFF;
	_ =	strace $0x9FFFFFFF  }
0xc3: {  	(tm) =	ssettm $0x7FFFFFFF  }
tec
execute0_lowered:
.L_overlay_start_1:
0x0: {  	(tag) =	ssettag $0x1  }
0x1: {  	s5 =	rddreg [dreg:$0x0]  }
0x2: {  	s1 =	srdreg.scid;
	s10 =	rddreg [dreg:$0x1]  }
0x3: {  	s0 =	stileid.u32;
	s2 =	rddreg [dreg:$0x2];
	s3 =	simm.s32 $0x0  }
0x4: {  	s13 =	simm.s32 $0x19000;
	s14 =	simm.s32 $0x1;
	s15 =	simm.s32 $0x5080  }
0x5: {  	s16 =	simm.s32 $0x0;
	s6 =	sand.u32 $0x1, s1;
	s9 =	smul.u32 $0x13C00, s0  }
0x6: {  	s26 =	sshll.u32 s0, $0x1;
	[smem:$0x7FF] =	sst s3;
	s11 =	smul.u32 $0x4F000, s0  }
0x7: {  	s4 =	sadd.s32 $0x22200, s5;
	s12 =	smul.u32 $0x2780, s0;
	s31 =	sshll.u32 s0, $0x6  }
0x8: {  	s1 =	sor.u32 s6, s26;
	s8 =	smul.u32 $0x13C000, s6;
	s28 =	ssub.s32 $0x2, s6  }
0x9: {  	p0 =	seq.s32 s6, $0x1;
	s7 =	smul.u32 $0xA80, s1;
	s1 =	rddreg [dreg:$0x3]  }
0xa: {  	_ =	strace $0x80000050;
	s29 =	sshrl.u32 s28, $0x1;
	s30 =	sshrl.u32 s11, $0x2  }
0xb: {  	s6 =	sadd.s32 s4, s12;
	s12 =	simm.s32 $0x80;
	s8 =	sadd.s32 s9, s8  }
0xc: {  	s9 =	ssub.s32 s28, s29;
	s11 =	sadd.s32 s30, s2;
	s6 =	smov.u32 @p0 s10  }
0xd: {  	s10 =	sor.u32 $0x1C02, s31;
	s7 =	sadd.s32 s7, s5;
	s8 =	sshrl.u32 s8, $0x3  }
0xe: {  	s11 =	sshrl.u32 s11, $0x3;
	s8 =	sadd.s32 s8, s5;
	s5 =	sadd.s32 $0xD200, s7  }
0xf: {  	s7 =	sadd.s32 $0x4A200, s8;
	s8 =	smax.u32 s9, $0x1;
	s9 =	simm.s32 $0x2  }
.LBB2_1:
0x10: {  	[tilespmem:s3], [sflag:$0x2] =	stream.linear.gather [hbm4b:s5+s3], $0x5100, $0x38;
	[tilespmem:$0x1D000] =	vst v63  }
0x11: {  	_ =	swait.ge [sflag:s9], $0x5100  }
0x12: {  	[sflag:s9] =	ssyncset.done $0x0  }
0x13: {  	[sflag:s9] =	ssyncadd.s32 $0xFFFFAF00  }
0x14: {  	[spmem:s11], [sflag:s10] =	dma.local [hbm:s6], $0x2780  }
0x15: {  	_ =	swait.ge [sflag:s9], $0x2780  }
0x16: {  	[sflag:s9] =	ssyncset.done $0x0  }
0x17: {  	[sflag:s9] =	ssyncadd.s32 $0xFFFFD880  }
0x18: {  	[bflag:$0x0] =	sbarrier.arrive $0xFFFF  }
0x19: {  	[tilespmem:s13], [sflag:$0x1] =	stream.indirect.gather [hbm4b:s4+s12], $0x80, s3, s12, $0xb8;
	[tilespmem:$0x1D000] =	vst v63  }
0x1a: {  	_ =	swait.ge [sflag:s14], $0x4000  }
0x1b: {  	[sflag:s14] =	ssyncset.done $0x0  }
0x1c: {  	s17 =	simm.s32 $0x2880;
	[sflag:s14] =	ssyncadd.s32 $0xFFFFC000  }
0x1d: {  	[spmem:s2] =	stream.indirect.scatter.add.f32 [tilespmem:s13], [sflag:$0x2], $0x80, s17, s12, $0xb8;
	[tilespmem:$0x1D000] =	vst v63  }
0x1e: {  	_ =	swait.ge [sflag:s9], $0x4000  }
0x1f: {  	[sflag:s9] =	ssyncset.done $0x0  }
0x20: {  	s18 =	simm.s32 $0x80;
	s17 =	simm.s32 $0x400;
	[sflag:s9] =	ssyncadd.s32 $0xFFFFC000  }
.LBB2_2:
0x21: {  	[tilespmem:s13], [sflag:$0x1] =	stream.indirect.gather [hbm4b:s4+s12], $0x80, s18, s12, $0xb8;
	[tilespmem:$0x1D000] =	vst v63  }
0x22: {  	s18 =	smov.u32 s17  }
0x23: {  	p0 =	sne.s32 s17, $0xA000;
	s17 =	sadd.s32 $0x200, s17;
	_ =	swait.ge [sflag:s14], $0x4000  }
0x24: {  	s18 =	sshra.s32 s18, $0x2;
	[sflag:s14] =	ssyncset.done $0x0  }
.Ltmp0:
0x25: {  	s19 =	sadd.s32 $0x2800, s18;
	[sflag:s14] =	ssyncadd.s32 $0xFFFFC000;
	(pc) =	sbr.rel @p0 .LBB2_2-.Ltmp0, $4  }
0x26: {  	[spmem:s2] =	stream.indirect.scatter.add.f32 [tilespmem:s13], [sflag:$0x2], $0x80, s19, s12, $0xb8;
	[tilespmem:$0x1D000] =	vst v63  }
0x27: {  	_ =	swait.ge [sflag:s9], $0x4000  }
0x28: {  	[sflag:s9] =	ssyncset.done $0x0  }
0x29: {  	[sflag:s9] =	ssyncadd.s32 $0xFFFFC000  }
0x2a: {  	[tilespmem:s13], [sflag:$0x1] =	stream.indirect.gather [hbm4b:s4+s12], $0x80, s18, s12, $0xb8;
	[tilespmem:$0x1D000] =	vst v63  }
0x2b: {  	_ =	swait.ge [sflag:s14], $0x4000  }
0x2c: {  	[sflag:s14] =	ssyncset.done $0x0  }
0x2d: {  	[sflag:s14] =	ssyncadd.s32 $0xFFFFC000  }
0x2e: {  	[spmem:s2] =	stream.indirect.scatter.add.f32 [tilespmem:s13], [sflag:$0x2], $0x80, s15, s12, $0xb8;
	[tilespmem:$0x1D000] =	vst v63  }
0x2f: {  	_ =	swait.ge [sflag:s9], $0x4000  }
0x30: {  	[sflag:s9] =	ssyncset.done $0x0  }
0x31: {  	[sflag:s9] =	ssyncadd.s32 $0xFFFFC000  }
0x32: {  	[tilespmem:s13], [sflag:$0x1] =	stream.indirect.gather [hbm4b:s4+s12], $0x80, s3, s12, $0xb8;
	[tilespmem:$0x1D000] =	vst v63  }
0x33: {  	_ =	swait.ge [sflag:s14], $0x4000  }
0x34: {  	s16 =	sadd.s32 $0x1, s16;
	[sflag:s14] =	ssyncset.done $0x0  }
0x35: {  	p0 =	sne.s32 s16, s8;
	[sflag:s14] =	ssyncadd.s32 $0xFFFFC000  }
.Ltmp1:
0x36: {  	[bflag:$0x0] =	sbarrier.arrive $0xFFFF;
	(pc) =	sbr.rel @p0 .LBB2_1-.Ltmp1, $4  }
0x37: {  	[hbm:s7], [sflag:s10] =	dma.local [spmem:s11], $0x2780  }
0x38: {  	_ =	swait.ge [sflag:s9], $0x2780  }
0x39: {  	[sflag:s9] =	ssyncset.done $0x0  }
0x3a: {  	[sflag:s9] =	ssyncadd.s32 $0xFFFFD880  }
0x3b: {  	_ =	sfence.sel $0x180000  }
0x3c: {  	[bflag:$0x0] =	sbarrier.arrive $0xFFFF  }
0x3d: {  	p0 =	sne.s32 s0, $0x0;
	_ =	strace $0x90000050  }
0x3e: {  	s0 =	sadd.s32 @!p0 $0x100000, s1;
	[bflag:$0x2] =	sbarrier.arrive $0xFFFF  }
0x3f: {  	[sflag:s0] =	ssyncadd.tile.s32 @!p0 $0x1;
	_ =	shalt  }
.Lfunc_end2:
_tile_overlayer_lowered:
.L_overlay_start_2:
0x40: {  	(tag) =	ssettag $0x2  }
0x41: {  	s0 =	rddreg [dreg:$0x0];
	s2 =	stileid.u32  }
0x42: {  	s1 =	rddreg [dreg:$0x1];
	p0 =	sne.s32 s2, $0x0  }
0x43: {  	s3 =	rddreg [dreg:$0x2];
	[bflag:$0x3] =	sbarrier.arrive $0xFFFF;
	s2 =	simm.s32 @!p0 $0x1C02  }
0x44: {  	[timem:s3], [sflag:s2] =	dma.local @!p0 [hbm:s0], s1  }
0x45: {  	s0 =	simm.s32 @!p0 $0x2  }
0x46: {  	_ =	swait.ge @!p0 [sflag:s0], s1  }
0x47: {  	s1 =	ssub.s32 @!p0 $0x0, s1;
	[sflag:s0] =	ssyncset.done @!p0 $0x0  }
0x48: {  	[sflag:s0] =	ssyncadd.s32 @!p0 s1  }
0x49: {  	[bflag:$0x3] =	sbarrier.arrive $0xFFFF  }
0x4a: {  	_ =	shalt  }

</sc_bundles>
